<compile_context>
chip_gen: v7x
topology: tpu7x:2x2x1
jax: 0.10.2.dev20260603
libtpu: 0.0.44.dev20260713+nightly
codegen_flags: <defaults>
</compile_context>

<pallas_src>
import functools

import jax
import jax.numpy as jnp
from jax import lax
from jax.experimental import pallas as pl
from jax.experimental.pallas import tpu as pltpu
from jax.experimental.pallas import tpu_sc as plsc

N = 10000
E = 320000
D = 128

NC = 2
NS = 16
NW = NC * NS
NPAD = 10240
STRIPE = NPAD // NS

EPT = E // NW
CL = 160
CHT = EPT // CL
TAIL = EPT - CHT * CL
CLD = 200
NCHD = EPT // CLD

BLK = 640



@functools.lru_cache(maxsize=None)
def _build_sc_kernels():
    mesh = plsc.VectorSubcoreMesh(
        core_axis_name="c", subcore_axis_name="s",
        num_cores=NC, num_subcores=NS)

    @functools.partial(
        pl.kernel,
        out_type=jax.ShapeDtypeStruct((NC * NPAD,), jnp.float32),
        mesh=mesh,
        scratch_types=[
            pltpu.VMEM((EPT,), jnp.int32),
            pltpu.VMEM((CLD,), jnp.float32),
            pltpu.VMEM_SHARED((NPAD,), jnp.float32),
            pltpu.SemaphoreType.DMA,
        ],
    )
    def deg_kernel(dst_hbm, ones_hbm, zrow_hbm, out_hbm,
                   idx_v, ones_v, deg_sh, sem):
        c = lax.axis_index("c")
        s = lax.axis_index("s")
        w = c * NS + s
        r0 = s * STRIPE
        pltpu.sync_copy(ones_hbm, ones_v)
        pltpu.sync_copy(dst_hbm.at[pl.ds(w * EPT, EPT)], idx_v)
        pltpu.sync_copy(zrow_hbm.at[pl.ds(r0, STRIPE)],
                        deg_sh.at[pl.ds(r0, STRIPE)])
        plsc.subcore_barrier()

        def fire(k, carry):
            pltpu.async_copy(
                ones_v, deg_sh.at[idx_v.at[pl.ds(k * CLD, CLD)]], sem,
                add=True)
            return carry

        lax.fori_loop(0, NCHD, fire, 0)

        def drain(k, carry):
            pltpu.make_async_copy(
                ones_v, deg_sh.at[idx_v.at[pl.ds(k * CLD, CLD)]], sem).wait()
            return carry

        lax.fori_loop(0, NCHD, drain, 0)
        plsc.subcore_barrier()
        pltpu.sync_copy(deg_sh.at[pl.ds(r0, STRIPE)],
                        out_hbm.at[pl.ds(c * NPAD + r0, STRIPE)])

    @functools.partial(
        pl.kernel,
        out_type=(jax.ShapeDtypeStruct((NC * NPAD, D), jnp.float32),
                  jax.ShapeDtypeStruct((NC * NPAD,), jnp.float32)),
        mesh=mesh,
        scratch_types=[
            [pltpu.VMEM((CL,), jnp.int32) for _ in range(4)],
            [pltpu.VMEM((CL,), jnp.int32) for _ in range(4)],
            [pltpu.VMEM((CL, D), jnp.float32) for _ in range(2)],
            [pltpu.VMEM((CL,), jnp.float32) for _ in range(2)],
            pltpu.VMEM_SHARED((NPAD, D), jnp.float32),
            pltpu.VMEM_SHARED((NPAD,), jnp.float32),
            [pltpu.SemaphoreType.DMA for _ in range(4)],
            [pltpu.SemaphoreType.DMA for _ in range(2)],
            [pltpu.SemaphoreType.DMA for _ in range(2)],
            [pltpu.SemaphoreType.DMA for _ in range(2)],
            [pltpu.SemaphoreType.DMA for _ in range(2)],
        ],
    )
    def main_kernel(src_hbm, dst_hbm, hs_hbm, dinv_hbm, zmat_hbm, zrow_hbm,
                    acc_out, csum_out,
                    si, di, ubufs, dbufs, acc_sh, csum_sh,
                    isems, usems, dsems, asems, csems):
        c = lax.axis_index("c")
        s = lax.axis_index("s")
        w = c * NS + s
        r0 = s * STRIPE
        base = w * EPT

        def fire_idx(k, j):
            pltpu.async_copy(
                src_hbm.at[pl.ds(base + k * CL, CL)], si[j], isems[j])
            pltpu.async_copy(
                dst_hbm.at[pl.ds(base + k * CL, CL)], di[j], isems[j])

        def wait_idx(k, j):
            pltpu.make_async_copy(
                src_hbm.at[pl.ds(base + k * CL, CL)], si[j], isems[j]).wait()
            pltpu.make_async_copy(
                dst_hbm.at[pl.ds(base + k * CL, CL)], di[j], isems[j]).wait()

        def fire_gathers(j, b):
            pltpu.async_copy(hs_hbm.at[si[j]], ubufs[b], usems[b])
            pltpu.async_copy(dinv_hbm.at[di[j]], dbufs[b], dsems[b])

        def wait_gathers(j, b):
            pltpu.make_async_copy(hs_hbm.at[si[j]], ubufs[b], usems[b]).wait()
            pltpu.make_async_copy(
                dinv_hbm.at[di[j]], dbufs[b], dsems[b]).wait()

        def fire_scatters(j, b):
            pltpu.async_copy(ubufs[b], acc_sh.at[di[j]], asems[b], add=True)
            pltpu.async_copy(dbufs[b], csum_sh.at[si[j]], csems[b], add=True)

        def wait_scatters(j, b):
            pltpu.make_async_copy(ubufs[b], acc_sh.at[di[j]], asems[b]).wait()
            pltpu.make_async_copy(
                dbufs[b], csum_sh.at[si[j]], csems[b]).wait()

        for j in range(4):
            fire_idx(j, j)
        for b in range(2):
            wait_idx(b, b)
            fire_gathers(b, b)
        pltpu.sync_copy(zmat_hbm.at[pl.ds(r0, STRIPE)],
                        acc_sh.at[pl.ds(r0, STRIPE)])
        pltpu.sync_copy(zrow_hbm.at[pl.ds(r0, STRIPE)],
                        csum_sh.at[pl.ds(r0, STRIPE)])
        plsc.subcore_barrier()

        def quad(i, carry):
            for u in range(4):
                k = i * 4 + u
                j = u
                b = u % 2
                wait_gathers(j, b)
                fire_scatters(j, b)

                @pl.when(k + 2 < CHT)
                def _():
                    wait_scatters(j, b)
                    j2 = (u + 2) % 4
                    wait_idx(k + 2, j2)
                    fire_gathers(j2, b)

                    @pl.when(k + 4 < CHT)
                    def _():
                        fire_idx(k + 4, j)
            return carry

        lax.fori_loop(0, CHT // 4, quad, 0)
        wait_gathers(0, 0)
        fire_scatters(0, 0)
        wait_gathers(1, 1)
        fire_scatters(1, 1)
        toff = base + CHT * CL
        sit = si[2].at[pl.ds(0, TAIL)]
        dit = di[2].at[pl.ds(0, TAIL)]
        pltpu.sync_copy(src_hbm.at[pl.ds(toff, TAIL)], sit)
        pltpu.sync_copy(dst_hbm.at[pl.ds(toff, TAIL)], dit)
        wait_scatters(0, 0)
        ubt = ubufs[0].at[pl.ds(0, TAIL)]
        dbt = dbufs[0].at[pl.ds(0, TAIL)]
        pltpu.async_copy(hs_hbm.at[sit], ubt, usems[0]).wait()
        pltpu.async_copy(dinv_hbm.at[dit], dbt, dsems[0]).wait()
        pltpu.sync_copy(ubt, acc_sh.at[dit], add=True)
        pltpu.sync_copy(dbt, csum_sh.at[sit], add=True)
        wait_scatters(1, 1)
        plsc.subcore_barrier()
        pltpu.sync_copy(acc_sh.at[pl.ds(r0, STRIPE)],
                        acc_out.at[pl.ds(c * NPAD + r0, STRIPE)])
        pltpu.sync_copy(csum_sh.at[pl.ds(r0, STRIPE)],
                        csum_out.at[pl.ds(c * NPAD + r0, STRIPE)])

    return deg_kernel, main_kernel



def _hs_body(x_ref, w_ref, d_ref, out_ref):
    h = jnp.dot(x_ref[...], w_ref[...], preferred_element_type=jnp.float32)
    out_ref[...] = h * d_ref[...]


def _hs_call(x_pad, W1, dinv_col):
    return pl.pallas_call(
        _hs_body,
        grid=(NPAD // BLK,),
        in_specs=[
            pl.BlockSpec((BLK, D), lambda i: (i, 0)),
            pl.BlockSpec((D, D), lambda i: (0, 0)),
            pl.BlockSpec((BLK, 1), lambda i: (i, 0)),
        ],
        out_specs=pl.BlockSpec((BLK, D), lambda i: (i, 0)),
        out_shape=jax.ShapeDtypeStruct((NPAD, D), jnp.float32),
    )(x_pad, W1, dinv_col)


def _comb_body(a0_ref, a1_ref, hs_ref, d_ref, c_ref, b1_ref, w2_ref, b2_ref,
               out_ref, vacc_ref):
    i = pl.program_id(0)

    @pl.when(i == 0)
    def _():
        vacc_ref[...] = jnp.zeros((1, D), jnp.float32)

    a = a0_ref[...] + a1_ref[...] + hs_ref[...]
    r = jnp.maximum(d_ref[...] * a + b1_ref[...], 0.0)
    vacc_ref[...] += jnp.sum(c_ref[...] * r, axis=0, keepdims=True)

    @pl.when(i == pl.num_programs(0) - 1)
    def _():
        g = jnp.dot(vacc_ref[...], w2_ref[...],
                    preferred_element_type=jnp.float32)
        out_ref[...] = g * (1.0 / N) + b2_ref[...]


def _comb_call(acc2, hs, dinv_col, cvec_col, b1_row, W2, b2_row):
    nblk = NPAD // BLK
    return pl.pallas_call(
        _comb_body,
        grid=(nblk,),
        in_specs=[
            pl.BlockSpec((BLK, D), lambda i: (i, 0)),
            pl.BlockSpec((BLK, D), lambda i: (i + NPAD // BLK, 0)),
            pl.BlockSpec((BLK, D), lambda i: (i, 0)),
            pl.BlockSpec((BLK, 1), lambda i: (i, 0)),
            pl.BlockSpec((BLK, 1), lambda i: (i, 0)),
            pl.BlockSpec((1, D), lambda i: (0, 0)),
            pl.BlockSpec((D, D), lambda i: (0, 0)),
            pl.BlockSpec((1, D), lambda i: (0, 0)),
        ],
        out_specs=pl.BlockSpec((1, D), lambda i: (0, 0)),
        out_shape=jax.ShapeDtypeStruct((1, D), jnp.float32),
        scratch_shapes=[pltpu.VMEM((1, D), jnp.float32)],
    )(acc2, acc2, hs, dinv_col, cvec_col, b1_row, W2, b2_row)



def kernel(x, edge_index, W1, b1, W2, b2):
    deg_kernel, main_kernel = _build_sc_kernels()

    src1d = edge_index[0]
    dst1d = edge_index[1]
    x_pad = jnp.pad(x, ((0, NPAD - N), (0, 0)))

    ones_vec = jnp.ones((CLD,), jnp.float32)
    zrow = jnp.zeros((NPAD,), jnp.float32)
    zmat = jnp.zeros((NPAD, D), jnp.float32)

    deg2 = deg_kernel(dst1d, ones_vec, zrow)
    deg = deg2[:NPAD] + deg2[NPAD:] + 1.0
    dinv = lax.rsqrt(deg)

    hs = _hs_call(x_pad, W1, dinv.reshape(NPAD, 1))

    acc2, csum2 = main_kernel(src1d, dst1d, hs, dinv, zmat, zrow)

    csum = csum2[:NPAD] + csum2[NPAD:]
    cvec = dinv * (csum + dinv)
    cvec = jnp.where(jnp.arange(NPAD) < N, cvec, 0.0)

    return _comb_call(acc2, hs, dinv.reshape(NPAD, 1), cvec.reshape(NPAD, 1),
                      b1.reshape(1, D), W2, b2.reshape(1, D))

# --- scband reference (transcript-rebuilt; emitter-appended) ---
"""Pipeline reference for scband-gcnencoder-8916352106736 (READ-ONLY COPY).

The authoritative reference and input builder live on the scoring server;
editing this copy changes nothing except your own understanding.
"""

import jax, jax.numpy as jnp
import numpy as np

N = 10000
E = 320000
D = 128


def setup_inputs(seed: int = 0) -> dict:
    key = jax.random.key(seed)
    k1, k2, k3, k4, k5, k6 = jax.random.split(key, 6)
    x = jax.random.normal(k1, (N, D), dtype=jnp.float32)
    edge_index = jax.random.randint(k2, (2, E), 0, N, dtype=jnp.int32)
    s = 1.0 / np.sqrt(D)
    W1 = jax.random.uniform(k3, (D, D), dtype=jnp.float32, minval=-s, maxval=s)
    b1 = jax.random.uniform(k4, (D,), dtype=jnp.float32, minval=-s, maxval=s)
    W2 = jax.random.uniform(k5, (D, D), dtype=jnp.float32, minval=-s, maxval=s)
    b2 = jax.random.uniform(k6, (D,), dtype=jnp.float32, minval=-s, maxval=s)
    return {"x": x, "edge_index": edge_index, "W1": W1, "b1": b1, "W2": W2, "b2": b2}


def _gcn_layer(x, edge_index, W, b):
    # GCNConv: out = D^{-1/2} (A + I) D^{-1/2} X W + b
    n = x.shape[0]
    h = x @ W
    src = edge_index[0]
    dst = edge_index[1]
    loop = jnp.arange(n, dtype=src.dtype)
    src = jnp.concatenate([src, loop])
    dst = jnp.concatenate([dst, loop])
    ones = jnp.ones(src.shape[0], dtype=h.dtype)
    deg = jax.ops.segment_sum(ones, dst, num_segments=n)
    dinv = jnp.where(deg > 0, jax.lax.rsqrt(jnp.maximum(deg, 1e-12)), 0.0)
    norm = dinv[src] * dinv[dst]
    msgs = h[src] * norm[:, None]
    out = jax.ops.segment_sum(msgs, dst, num_segments=n)
    return out + b


def reference(x, edge_index, W1, b1, W2, b2):
    # layer 1 + relu (dropout is identity in eval / p=0.0)
    h = _gcn_layer(x, edge_index, W1, b1)
    h = jax.nn.relu(h)
    # layer 2 (last layer, no activation)
    h = _gcn_layer(h, edge_index, W2, b2)
    # global_mean_pool with batch = zeros -> single graph mean
    g = jnp.mean(h, axis=0, keepdims=True)
    return g

if __name__ == "__main__":
    import jax
    _d = setup_inputs()
    print(jax.jit(kernel)(*tuple(_d.values())))

</pallas_src>

<mosaic_0001>
#map = affine_map<(d0, d1) -> (0)>
module attributes {stable_mosaic.version = 14 : i64} {
  func.func @deg_kernel(%arg0: i32, %arg1: i32, %arg2: memref<320000xi32, #tpu.memory_space<hbm>>, %arg3: memref<200xf32, #tpu.memory_space<hbm>>, %arg4: memref<10240xf32, #tpu.memory_space<hbm>>, %arg5: memref<20480xf32, #tpu.memory_space<hbm>>, %arg6: memref<10000xi32, #tpu.memory_space<vmem>>, %arg7: memref<200xf32, #tpu.memory_space<vmem>>, %arg8: memref<10240xf32, #tpu.memory_space<vmem_shared>>, %arg9: memref<!tpu.dma_semaphore, #tpu.memory_space<semaphore_mem>>) attributes {dimension_semantics = [#tpu.dimension_semantics<core_parallel>, #tpu.dimension_semantics<subcore_parallel>], iteration_bounds = array<i64: 2, 16>, scalar_prefetch = 0 : i64, scratch_operands = 4 : i64, tpu.core_type = #tpu.core_type<sc_vector_subcore>, window_params = [{transform_indices = #map}, {transform_indices = #map}, {transform_indices = #map}, {transform_indices = #map}]} {
    %mul3A = arith.constant 16 : i32
    %mul3A_0 = arith.muli %arg0, %mul3A : i32
    %add3A = arith.addi %mul3A_0, %arg1 : i32
    %mul3A_1 = arith.constant 640 : i32
    %mul3A_2 = arith.muli %arg1, %mul3A_1 : i32
    "tpu.region"() ({
      %run_scoped3A = tpu.sem_alloc : memref<!tpu.dma_semaphore, #tpu.memory_space<semaphore_mem>>
      tpu.enqueue_dma source(%arg3 : memref<200xf32, #tpu.memory_space<hbm>>) target(%arg7 : memref<200xf32, #tpu.memory_space<vmem>>) target_semaphore(%run_scoped3A : memref<!tpu.dma_semaphore, #tpu.memory_space<semaphore_mem>>)
      tpu.wait_dma2 semaphore(%run_scoped3A : memref<!tpu.dma_semaphore, #tpu.memory_space<semaphore_mem>>) src(%arg3 : memref<200xf32, #tpu.memory_space<hbm>>) dst(%arg7 : memref<200xf32, #tpu.memory_space<vmem>>)
      tpu.yield
    }) : () -> ()
    %mul3A_3 = arith.constant 10000 : i32
    %mul3A_4 = arith.muli %add3A, %mul3A_3 : i32
    "tpu.region"() ({
      %run_scoped3A = tpu.sem_alloc : memref<!tpu.dma_semaphore, #tpu.memory_space<semaphore_mem>>
      %dma_start3A = tpu.memref_slice %arg2[%mul3A_4] : memref<320000xi32, #tpu.memory_space<hbm>> -> memref<10000xi32, #tpu.memory_space<hbm>>
      %dma_start3A_20 = tpu.memref_slice %arg2[%mul3A_4] : memref<320000xi32, #tpu.memory_space<hbm>> -> memref<10000xi32, #tpu.memory_space<hbm>>
      tpu.enqueue_dma source(%dma_start3A_20 : memref<10000xi32, #tpu.memory_space<hbm>>) target(%arg6 : memref<10000xi32, #tpu.memory_space<vmem>>) target_semaphore(%run_scoped3A : memref<!tpu.dma_semaphore, #tpu.memory_space<semaphore_mem>>)
      %dma_wait3A = tpu.memref_slice %arg2[%mul3A_4] : memref<320000xi32, #tpu.memory_space<hbm>> -> memref<10000xi32, #tpu.memory_space<hbm>>
      %dma_wait3A_21 = tpu.memref_slice %arg2[%mul3A_4] : memref<320000xi32, #tpu.memory_space<hbm>> -> memref<10000xi32, #tpu.memory_space<hbm>>
      tpu.wait_dma2 semaphore(%run_scoped3A : memref<!tpu.dma_semaphore, #tpu.memory_space<semaphore_mem>>) src(%dma_wait3A_21 : memref<10000xi32, #tpu.memory_space<hbm>>) dst(%arg6 : memref<10000xi32, #tpu.memory_space<vmem>>)
      tpu.yield
    }) : () -> ()
    "tpu.region"() ({
      %run_scoped3A = tpu.sem_alloc : memref<!tpu.dma_semaphore, #tpu.memory_space<semaphore_mem>>
      %dma_start3A = tpu.memref_slice %arg8[%mul3A_2] : memref<10240xf32, #tpu.memory_space<vmem_shared>> -> memref<640xf32, #tpu.memory_space<vmem_shared>>
      %dma_start3A_20 = tpu.memref_slice %arg4[%mul3A_2] : memref<10240xf32, #tpu.memory_space<hbm>> -> memref<640xf32, #tpu.memory_space<hbm>>
      tpu.enqueue_dma source(%dma_start3A_20 : memref<640xf32, #tpu.memory_space<hbm>>) target(%dma_start3A : memref<640xf32, #tpu.memory_space<vmem_shared>>) target_semaphore(%run_scoped3A : memref<!tpu.dma_semaphore, #tpu.memory_space<semaphore_mem>>)
      %dma_wait3A = tpu.memref_slice %arg8[%mul3A_2] : memref<10240xf32, #tpu.memory_space<vmem_shared>> -> memref<640xf32, #tpu.memory_space<vmem_shared>>
      %dma_wait3A_21 = tpu.memref_slice %arg4[%mul3A_2] : memref<10240xf32, #tpu.memory_space<hbm>> -> memref<640xf32, #tpu.memory_space<hbm>>
      tpu.wait_dma2 semaphore(%run_scoped3A : memref<!tpu.dma_semaphore, #tpu.memory_space<semaphore_mem>>) src(%dma_wait3A_21 : memref<640xf32, #tpu.memory_space<hbm>>) dst(%dma_wait3A : memref<640xf32, #tpu.memory_space<vmem_shared>>)
      tpu.yield
    }) : () -> ()
    %barrier3A = arith.constant 0 : index
    tpu.barrier barrier_id(%barrier3A)
    %scan3A = arith.constant 0 : i32
    %scan3A_5 = arith.constant 0 : i32
    %scan3A_6 = arith.constant 50 : i32
    %scan3A_7 = arith.addi %scan3A_5, %scan3A_6 : i32
    %scan3A_8 = arith.constant 1 : i32
    scf.for %scan3A_20 = %scan3A_5 to %scan3A_7 step %scan3A_8  : i32 {
      %mul3A_21 = arith.constant 200 : i32
      %mul3A_22 = arith.muli %scan3A_20, %mul3A_21 : i32
      %dma_start3A = tpu.memref_slice %arg6[%mul3A_22] : memref<10000xi32, #tpu.memory_space<vmem>> -> memref<200xi32, #tpu.memory_space<vmem>>
      %dma_start3A_23 = arith.constant 0 : i32
      %dma_start3A_24 = tpu.memref_slice %arg8[%dma_start3A_23] : memref<10240xf32, #tpu.memory_space<vmem_shared>> -> memref<10240xf32, #tpu.memory_space<vmem_shared>>
      tpu.enqueue_indirect_dma source(%arg7 : memref<200xf32, #tpu.memory_space<vmem>>) target(%dma_start3A_24 : memref<10240xf32, #tpu.memory_space<vmem_shared>>) offsets(%dma_start3A : memref<200xi32, #tpu.memory_space<vmem>>) semaphore(%arg9 : memref<!tpu.dma_semaphore, #tpu.memory_space<semaphore_mem>>) {add = true}
    }
    %scan3A_9 = arith.constant 50 : i32
    %scan3A_10 = arith.constant 0 : i32
    %scan3A_11 = arith.constant 0 : i32
    %scan3A_12 = arith.constant 50 : i32
    %scan3A_13 = arith.addi %scan3A_11, %scan3A_12 : i32
    %scan3A_14 = arith.constant 1 : i32
    scf.for %scan3A_20 = %scan3A_11 to %scan3A_13 step %scan3A_14  : i32 {
      %mul3A_21 = arith.constant 200 : i32
      %mul3A_22 = arith.muli %scan3A_20, %mul3A_21 : i32
      %dma_wait3A = tpu.memref_slice %arg6[%mul3A_22] : memref<10000xi32, #tpu.memory_space<vmem>> -> memref<200xi32, #tpu.memory_space<vmem>>
      %dma_wait3A_23 = arith.constant 0 : i32
      %dma_wait3A_24 = tpu.memref_slice %arg8[%dma_wait3A_23] : memref<10240xf32, #tpu.memory_space<vmem_shared>> -> memref<10240xf32, #tpu.memory_space<vmem_shared>>
      tpu.wait_indirect_dma semaphore(%arg9 : memref<!tpu.dma_semaphore, #tpu.memory_space<semaphore_mem>>) src(%arg7 : memref<200xf32, #tpu.memory_space<vmem>>) dst(%dma_wait3A_24 : memref<10240xf32, #tpu.memory_space<vmem_shared>>)
    }
    %scan3A_15 = arith.constant 50 : i32
    %barrier3A_16 = arith.constant 0 : index
    tpu.barrier barrier_id(%barrier3A_16)
    %mul3A_17 = arith.constant 10240 : i32
    %mul3A_18 = arith.muli %arg0, %mul3A_17 : i32
    %add3A_19 = arith.addi %mul3A_18, %mul3A_2 : i32
    "tpu.region"() ({
      %run_scoped3A = tpu.sem_alloc : memref<!tpu.dma_semaphore, #tpu.memory_space<semaphore_mem>>
      %dma_start3A = tpu.memref_slice %arg5[%add3A_19] : memref<20480xf32, #tpu.memory_space<hbm>> -> memref<640xf32, #tpu.memory_space<hbm>>
      %dma_start3A_20 = tpu.memref_slice %arg8[%mul3A_2] : memref<10240xf32, #tpu.memory_space<vmem_shared>> -> memref<640xf32, #tpu.memory_space<vmem_shared>>
      tpu.enqueue_dma source(%dma_start3A_20 : memref<640xf32, #tpu.memory_space<vmem_shared>>) target(%dma_start3A : memref<640xf32, #tpu.memory_space<hbm>>) target_semaphore(%run_scoped3A : memref<!tpu.dma_semaphore, #tpu.memory_space<semaphore_mem>>)
      %dma_wait3A = tpu.memref_slice %arg5[%add3A_19] : memref<20480xf32, #tpu.memory_space<hbm>> -> memref<640xf32, #tpu.memory_space<hbm>>
      %dma_wait3A_21 = tpu.memref_slice %arg8[%mul3A_2] : memref<10240xf32, #tpu.memory_space<vmem_shared>> -> memref<640xf32, #tpu.memory_space<vmem_shared>>
      tpu.wait_dma2 semaphore(%run_scoped3A : memref<!tpu.dma_semaphore, #tpu.memory_space<semaphore_mem>>) src(%dma_wait3A_21 : memref<640xf32, #tpu.memory_space<vmem_shared>>) dst(%dma_wait3A : memref<640xf32, #tpu.memory_space<hbm>>)
      tpu.yield
    }) : () -> ()
    return
  }
}

#map = affine_map<(d0, d1) -> (0)>
#map1 = affine_map<(d0, d1) -> (0, 0)>
module attributes {stable_mosaic.version = 14 : i64} {
  func.func @main_kernel(%arg0: i32, %arg1: i32, %arg2: memref<320000xi32, #tpu.memory_space<hbm>>, %arg3: memref<320000xi32, #tpu.memory_space<hbm>>, %arg4: memref<10240x128xf32, #tpu.memory_space<hbm>>, %arg5: memref<10240xf32, #tpu.memory_space<hbm>>, %arg6: memref<10240x128xf32, #tpu.memory_space<hbm>>, %arg7: memref<10240xf32, #tpu.memory_space<hbm>>, %arg8: memref<20480x128xf32, #tpu.memory_space<hbm>>, %arg9: memref<20480xf32, #tpu.memory_space<hbm>>, %arg10: memref<160xi32, #tpu.memory_space<vmem>>, %arg11: memref<160xi32, #tpu.memory_space<vmem>>, %arg12: memref<160xi32, #tpu.memory_space<vmem>>, %arg13: memref<160xi32, #tpu.memory_space<vmem>>, %arg14: memref<160xi32, #tpu.memory_space<vmem>>, %arg15: memref<160xi32, #tpu.memory_space<vmem>>, %arg16: memref<160xi32, #tpu.memory_space<vmem>>, %arg17: memref<160xi32, #tpu.memory_space<vmem>>, %arg18: memref<160x128xf32, #tpu.memory_space<vmem>>, %arg19: memref<160x128xf32, #tpu.memory_space<vmem>>, %arg20: memref<160xf32, #tpu.memory_space<vmem>>, %arg21: memref<160xf32, #tpu.memory_space<vmem>>, %arg22: memref<10240x128xf32, #tpu.memory_space<vmem_shared>>, %arg23: memref<10240xf32, #tpu.memory_space<vmem_shared>>, %arg24: memref<!tpu.dma_semaphore, #tpu.memory_space<semaphore_mem>>, %arg25: memref<!tpu.dma_semaphore, #tpu.memory_space<semaphore_mem>>, %arg26: memref<!tpu.dma_semaphore, #tpu.memory_space<semaphore_mem>>, %arg27: memref<!tpu.dma_semaphore, #tpu.memory_space<semaphore_mem>>, %arg28: memref<!tpu.dma_semaphore, #tpu.memory_space<semaphore_mem>>, %arg29: memref<!tpu.dma_semaphore, #tpu.memory_space<semaphore_mem>>, %arg30: memref<!tpu.dma_semaphore, #tpu.memory_space<semaphore_mem>>, %arg31: memref<!tpu.dma_semaphore, #tpu.memory_space<semaphore_mem>>, %arg32: memref<!tpu.dma_semaphore, #tpu.memory_space<semaphore_mem>>, %arg33: memref<!tpu.dma_semaphore, #tpu.memory_space<semaphore_mem>>, %arg34: memref<!tpu.dma_semaphore, #tpu.memory_space<semaphore_mem>>, %arg35: memref<!tpu.dma_semaphore, #tpu.memory_space<semaphore_mem>>) attributes {dimension_semantics = [#tpu.dimension_semantics<core_parallel>, #tpu.dimension_semantics<subcore_parallel>], iteration_bounds = array<i64: 2, 16>, scalar_prefetch = 0 : i64, scratch_operands = 26 : i64, tpu.core_type = #tpu.core_type<sc_vector_subcore>, window_params = [{transform_indices = #map}, {transform_indices = #map}, {transform_indices = #map1}, {transform_indices = #map}, {transform_indices = #map1}, {transform_indices = #map}, {transform_indices = #map1}, {transform_indices = #map}]} {
    %mul3A = arith.constant 16 : i32
    %mul3A_0 = arith.muli %arg0, %mul3A : i32
    %add3A = arith.addi %mul3A_0, %arg1 : i32
    %mul3A_1 = arith.constant 640 : i32
    %mul3A_2 = arith.muli %arg1, %mul3A_1 : i32
    %mul3A_3 = arith.constant 10000 : i32
    %mul3A_4 = arith.muli %add3A, %mul3A_3 : i32
    %add3A_5 = arith.constant 0 : i32
    %add3A_6 = arith.addi %mul3A_4, %add3A_5 : i32
    %dma_start3A = tpu.memref_slice %arg2[%add3A_6] : memref<320000xi32, #tpu.memory_space<hbm>> -> memref<160xi32, #tpu.memory_space<hbm>>
    %dma_start3A_7 = tpu.memref_slice %arg2[%add3A_6] : memref<320000xi32, #tpu.memory_space<hbm>> -> memref<160xi32, #tpu.memory_space<hbm>>
    tpu.enqueue_dma source(%dma_start3A_7 : memref<160xi32, #tpu.memory_space<hbm>>) target(%arg10 : memref<160xi32, #tpu.memory_space<vmem>>) target_semaphore(%arg24 : memref<!tpu.dma_semaphore, #tpu.memory_space<semaphore_mem>>)
    %add3A_8 = arith.constant 0 : i32
    %add3A_9 = arith.addi %mul3A_4, %add3A_8 : i32
    %dma_start3A_10 = tpu.memref_slice %arg3[%add3A_9] : memref<320000xi32, #tpu.memory_space<hbm>> -> memref<160xi32, #tpu.memory_space<hbm>>
    %dma_start3A_11 = tpu.memref_slice %arg3[%add3A_9] : memref<320000xi32, #tpu.memory_space<hbm>> -> memref<160xi32, #tpu.memory_space<hbm>>
    tpu.enqueue_dma source(%dma_start3A_11 : memref<160xi32, #tpu.memory_space<hbm>>) target(%arg14 : memref<160xi32, #tpu.memory_space<vmem>>) target_semaphore(%arg24 : memref<!tpu.dma_semaphore, #tpu.memory_space<semaphore_mem>>)
    %add3A_12 = arith.constant 160 : i32
    %add3A_13 = arith.addi %mul3A_4, %add3A_12 : i32
    %dma_start3A_14 = tpu.memref_slice %arg2[%add3A_13] : memref<320000xi32, #tpu.memory_space<hbm>> -> memref<160xi32, #tpu.memory_space<hbm>>
    %dma_start3A_15 = tpu.memref_slice %arg2[%add3A_13] : memref<320000xi32, #tpu.memory_space<hbm>> -> memref<160xi32, #tpu.memory_space<hbm>>
    tpu.enqueue_dma source(%dma_start3A_15 : memref<160xi32, #tpu.memory_space<hbm>>) target(%arg11 : memref<160xi32, #tpu.memory_space<vmem>>) target_semaphore(%arg25 : memref<!tpu.dma_semaphore, #tpu.memory_space<semaphore_mem>>)
    %add3A_16 = arith.constant 160 : i32
    %add3A_17 = arith.addi %mul3A_4, %add3A_16 : i32
    %dma_start3A_18 = tpu.memref_slice %arg3[%add3A_17] : memref<320000xi32, #tpu.memory_space<hbm>> -> memref<160xi32, #tpu.memory_space<hbm>>
    %dma_start3A_19 = tpu.memref_slice %arg3[%add3A_17] : memref<320000xi32, #tpu.memory_space<hbm>> -> memref<160xi32, #tpu.memory_space<hbm>>
    tpu.enqueue_dma source(%dma_start3A_19 : memref<160xi32, #tpu.memory_space<hbm>>) target(%arg15 : memref<160xi32, #tpu.memory_space<vmem>>) target_semaphore(%arg25 : memref<!tpu.dma_semaphore, #tpu.memory_space<semaphore_mem>>)
    %add3A_20 = arith.constant 320 : i32
    %add3A_21 = arith.addi %mul3A_4, %add3A_20 : i32
    %dma_start3A_22 = tpu.memref_slice %arg2[%add3A_21] : memref<320000xi32, #tpu.memory_space<hbm>> -> memref<160xi32, #tpu.memory_space<hbm>>
    %dma_start3A_23 = tpu.memref_slice %arg2[%add3A_21] : memref<320000xi32, #tpu.memory_space<hbm>> -> memref<160xi32, #tpu.memory_space<hbm>>
    tpu.enqueue_dma source(%dma_start3A_23 : memref<160xi32, #tpu.memory_space<hbm>>) target(%arg12 : memref<160xi32, #tpu.memory_space<vmem>>) target_semaphore(%arg26 : memref<!tpu.dma_semaphore, #tpu.memory_space<semaphore_mem>>)
    %add3A_24 = arith.constant 320 : i32
    %add3A_25 = arith.addi %mul3A_4, %add3A_24 : i32
    %dma_start3A_26 = tpu.memref_slice %arg3[%add3A_25] : memref<320000xi32, #tpu.memory_space<hbm>> -> memref<160xi32, #tpu.memory_space<hbm>>
    %dma_start3A_27 = tpu.memref_slice %arg3[%add3A_25] : memref<320000xi32, #tpu.memory_space<hbm>> -> memref<160xi32, #tpu.memory_space<hbm>>
    tpu.enqueue_dma source(%dma_start3A_27 : memref<160xi32, #tpu.memory_space<hbm>>) target(%arg16 : memref<160xi32, #tpu.memory_space<vmem>>) target_semaphore(%arg26 : memref<!tpu.dma_semaphore, #tpu.memory_space<semaphore_mem>>)
    %add3A_28 = arith.constant 480 : i32
    %add3A_29 = arith.addi %mul3A_4, %add3A_28 : i32
    %dma_start3A_30 = tpu.memref_slice %arg2[%add3A_29] : memref<320000xi32, #tpu.memory_space<hbm>> -> memref<160xi32, #tpu.memory_space<hbm>>
    %dma_start3A_31 = tpu.memref_slice %arg2[%add3A_29] : memref<320000xi32, #tpu.memory_space<hbm>> -> memref<160xi32, #tpu.memory_space<hbm>>
    tpu.enqueue_dma source(%dma_start3A_31 : memref<160xi32, #tpu.memory_space<hbm>>) target(%arg13 : memref<160xi32, #tpu.memory_space<vmem>>) target_semaphore(%arg27 : memref<!tpu.dma_semaphore, #tpu.memory_space<semaphore_mem>>)
    %add3A_32 = arith.constant 480 : i32
    %add3A_33 = arith.addi %mul3A_4, %add3A_32 : i32
    %dma_start3A_34 = tpu.memref_slice %arg3[%add3A_33] : memref<320000xi32, #tpu.memory_space<hbm>> -> memref<160xi32, #tpu.memory_space<hbm>>
    %dma_start3A_35 = tpu.memref_slice %arg3[%add3A_33] : memref<320000xi32, #tpu.memory_space<hbm>> -> memref<160xi32, #tpu.memory_space<hbm>>
    tpu.enqueue_dma source(%dma_start3A_35 : memref<160xi32, #tpu.memory_space<hbm>>) target(%arg17 : memref<160xi32, #tpu.memory_space<vmem>>) target_semaphore(%arg27 : memref<!tpu.dma_semaphore, #tpu.memory_space<semaphore_mem>>)
    %add3A_36 = arith.constant 0 : i32
    %add3A_37 = arith.addi %mul3A_4, %add3A_36 : i32
    %dma_wait3A = tpu.memref_slice %arg2[%add3A_37] : memref<320000xi32, #tpu.memory_space<hbm>> -> memref<160xi32, #tpu.memory_space<hbm>>
    %dma_wait3A_38 = tpu.memref_slice %arg2[%add3A_37] : memref<320000xi32, #tpu.memory_space<hbm>> -> memref<160xi32, #tpu.memory_space<hbm>>
    tpu.wait_dma2 semaphore(%arg24 : memref<!tpu.dma_semaphore, #tpu.memory_space<semaphore_mem>>) src(%dma_wait3A_38 : memref<160xi32, #tpu.memory_space<hbm>>) dst(%arg10 : memref<160xi32, #tpu.memory_space<vmem>>)
    %add3A_39 = arith.constant 0 : i32
    %add3A_40 = arith.addi %mul3A_4, %add3A_39 : i32
    %dma_wait3A_41 = tpu.memref_slice %arg3[%add3A_40] : memref<320000xi32, #tpu.memory_space<hbm>> -> memref<160xi32, #tpu.memory_space<hbm>>
    %dma_wait3A_42 = tpu.memref_slice %arg3[%add3A_40] : memref<320000xi32, #tpu.memory_space<hbm>> -> memref<160xi32, #tpu.memory_space<hbm>>
    tpu.wait_dma2 semaphore(%arg24 : memref<!tpu.dma_semaphore, #tpu.memory_space<semaphore_mem>>) src(%dma_wait3A_42 : memref<160xi32, #tpu.memory_space<hbm>>) dst(%arg14 : memref<160xi32, #tpu.memory_space<vmem>>)
    %dma_start3A_43 = arith.constant 0 : i32
    %dma_start3A_44 = arith.constant 0 : i32
    %dma_start3A_45 = tpu.memref_slice %arg4[%dma_start3A_43, %dma_start3A_44] : memref<10240x128xf32, #tpu.memory_space<hbm>> -> memref<10240x128xf32, #tpu.memory_space<hbm>>
    tpu.enqueue_indirect_dma source(%dma_start3A_45 : memref<10240x128xf32, #tpu.memory_space<hbm>>) target(%arg18 : memref<160x128xf32, #tpu.memory_space<vmem>>) offsets(%arg10 : memref<160xi32, #tpu.memory_space<vmem>>) semaphore(%arg28 : memref<!tpu.dma_semaphore, #tpu.memory_space<semaphore_mem>>)
    %dma_start3A_46 = arith.constant 0 : i32
    %dma_start3A_47 = tpu.memref_slice %arg5[%dma_start3A_46] : memref<10240xf32, #tpu.memory_space<hbm>> -> memref<10240xf32, #tpu.memory_space<hbm>>
    tpu.enqueue_indirect_dma source(%dma_start3A_47 : memref<10240xf32, #tpu.memory_space<hbm>>) target(%arg20 : memref<160xf32, #tpu.memory_space<vmem>>) offsets(%arg14 : memref<160xi32, #tpu.memory_space<vmem>>) semaphore(%arg30 : memref<!tpu.dma_semaphore, #tpu.memory_space<semaphore_mem>>)
    %add3A_48 = arith.constant 160 : i32
    %add3A_49 = arith.addi %mul3A_4, %add3A_48 : i32
    %dma_wait3A_50 = tpu.memref_slice %arg2[%add3A_49] : memref<320000xi32, #tpu.memory_space<hbm>> -> memref<160xi32, #tpu.memory_space<hbm>>
    %dma_wait3A_51 = tpu.memref_slice %arg2[%add3A_49] : memref<320000xi32, #tpu.memory_space<hbm>> -> memref<160xi32, #tpu.memory_space<hbm>>
    tpu.wait_dma2 semaphore(%arg25 : memref<!tpu.dma_semaphore, #tpu.memory_space<semaphore_mem>>) src(%dma_wait3A_51 : memref<160xi32, #tpu.memory_space<hbm>>) dst(%arg11 : memref<160xi32, #tpu.memory_space<vmem>>)
    %add3A_52 = arith.constant 160 : i32
    %add3A_53 = arith.addi %mul3A_4, %add3A_52 : i32
    %dma_wait3A_54 = tpu.memref_slice %arg3[%add3A_53] : memref<320000xi32, #tpu.memory_space<hbm>> -> memref<160xi32, #tpu.memory_space<hbm>>
    %dma_wait3A_55 = tpu.memref_slice %arg3[%add3A_53] : memref<320000xi32, #tpu.memory_space<hbm>> -> memref<160xi32, #tpu.memory_space<hbm>>
    tpu.wait_dma2 semaphore(%arg25 : memref<!tpu.dma_semaphore, #tpu.memory_space<semaphore_mem>>) src(%dma_wait3A_55 : memref<160xi32, #tpu.memory_space<hbm>>) dst(%arg15 : memref<160xi32, #tpu.memory_space<vmem>>)
    %dma_start3A_56 = arith.constant 0 : i32
    %dma_start3A_57 = arith.constant 0 : i32
    %dma_start3A_58 = tpu.memref_slice %arg4[%dma_start3A_56, %dma_start3A_57] : memref<10240x128xf32, #tpu.memory_space<hbm>> -> memref<10240x128xf32, #tpu.memory_space<hbm>>
    tpu.enqueue_indirect_dma source(%dma_start3A_58 : memref<10240x128xf32, #tpu.memory_space<hbm>>) target(%arg19 : memref<160x128xf32, #tpu.memory_space<vmem>>) offsets(%arg11 : memref<160xi32, #tpu.memory_space<vmem>>) semaphore(%arg29 : memref<!tpu.dma_semaphore, #tpu.memory_space<semaphore_mem>>)
    %dma_start3A_59 = arith.constant 0 : i32
    %dma_start3A_60 = tpu.memref_slice %arg5[%dma_start3A_59] : memref<10240xf32, #tpu.memory_space<hbm>> -> memref<10240xf32, #tpu.memory_space<hbm>>
    tpu.enqueue_indirect_dma source(%dma_start3A_60 : memref<10240xf32, #tpu.memory_space<hbm>>) target(%arg21 : memref<160xf32, #tpu.memory_space<vmem>>) offsets(%arg15 : memref<160xi32, #tpu.memory_space<vmem>>) semaphore(%arg31 : memref<!tpu.dma_semaphore, #tpu.memory_space<semaphore_mem>>)
    "tpu.region"() ({
      %run_scoped3A = tpu.sem_alloc : memref<!tpu.dma_semaphore, #tpu.memory_space<semaphore_mem>>
      %dma_start3A_133 = arith.constant 0 : i32
      %dma_start3A_134 = tpu.memref_slice %arg22[%mul3A_2, %dma_start3A_133] : memref<10240x128xf32, #tpu.memory_space<vmem_shared>> -> memref<640x128xf32, #tpu.memory_space<vmem_shared>>
      %dma_start3A_135 = arith.constant 0 : i32
      %dma_start3A_136 = tpu.memref_slice %arg6[%mul3A_2, %dma_start3A_135] : memref<10240x128xf32, #tpu.memory_space<hbm>> -> memref<640x128xf32, #tpu.memory_space<hbm>>
      tpu.enqueue_dma source(%dma_start3A_136 : memref<640x128xf32, #tpu.memory_space<hbm>>) target(%dma_start3A_134 : memref<640x128xf32, #tpu.memory_space<vmem_shared>>) target_semaphore(%run_scoped3A : memref<!tpu.dma_semaphore, #tpu.memory_space<semaphore_mem>>)
      %dma_wait3A_137 = arith.constant 0 : i32
      %dma_wait3A_138 = tpu.memref_slice %arg22[%mul3A_2, %dma_wait3A_137] : memref<10240x128xf32, #tpu.memory_space<vmem_shared>> -> memref<640x128xf32, #tpu.memory_space<vmem_shared>>
      %dma_wait3A_139 = arith.constant 0 : i32
      %dma_wait3A_140 = tpu.memref_slice %arg6[%mul3A_2, %dma_wait3A_139] : memref<10240x128xf32, #tpu.memory_space<hbm>> -> memref<640x128xf32, #tpu.memory_space<hbm>>
      tpu.wait_dma2 semaphore(%run_scoped3A : memref<!tpu.dma_semaphore, #tpu.memory_space<semaphore_mem>>) src(%dma_wait3A_140 : memref<640x128xf32, #tpu.memory_space<hbm>>) dst(%dma_wait3A_138 : memref<640x128xf32, #tpu.memory_space<vmem_shared>>)
      tpu.yield
    }) : () -> ()
    "tpu.region"() ({
      %run_scoped3A = tpu.sem_alloc : memref<!tpu.dma_semaphore, #tpu.memory_space<semaphore_mem>>
      %dma_start3A_133 = tpu.memref_slice %arg23[%mul3A_2] : memref<10240xf32, #tpu.memory_space<vmem_shared>> -> memref<640xf32, #tpu.memory_space<vmem_shared>>
      %dma_start3A_134 = tpu.memref_slice %arg7[%mul3A_2] : memref<10240xf32, #tpu.memory_space<hbm>> -> memref<640xf32, #tpu.memory_space<hbm>>
      tpu.enqueue_dma source(%dma_start3A_134 : memref<640xf32, #tpu.memory_space<hbm>>) target(%dma_start3A_133 : memref<640xf32, #tpu.memory_space<vmem_shared>>) target_semaphore(%run_scoped3A : memref<!tpu.dma_semaphore, #tpu.memory_space<semaphore_mem>>)
      %dma_wait3A_135 = tpu.memref_slice %arg23[%mul3A_2] : memref<10240xf32, #tpu.memory_space<vmem_shared>> -> memref<640xf32, #tpu.memory_space<vmem_shared>>
      %dma_wait3A_136 = tpu.memref_slice %arg7[%mul3A_2] : memref<10240xf32, #tpu.memory_space<hbm>> -> memref<640xf32, #tpu.memory_space<hbm>>
      tpu.wait_dma2 semaphore(%run_scoped3A : memref<!tpu.dma_semaphore, #tpu.memory_space<semaphore_mem>>) src(%dma_wait3A_136 : memref<640xf32, #tpu.memory_space<hbm>>) dst(%dma_wait3A_135 : memref<640xf32, #tpu.memory_space<vmem_shared>>)
      tpu.yield
    }) : () -> ()
    %barrier3A = arith.constant 0 : index
    tpu.barrier barrier_id(%barrier3A)
    %scan3A = arith.constant 0 : i32
    %scan3A_61 = arith.constant 0 : i32
    %scan3A_62 = arith.constant 15 : i32
    %scan3A_63 = arith.addi %scan3A_61, %scan3A_62 : i32
    %scan3A_64 = arith.constant 1 : i32
    scf.for %scan3A_133 = %scan3A_61 to %scan3A_63 step %scan3A_64  : i32 {
      %mul3A_134 = arith.constant 4 : i32
      %mul3A_135 = arith.muli %scan3A_133, %mul3A_134 : i32
      %add3A_136 = arith.constant 0 : i32
      %add3A_137 = arith.addi %mul3A_135, %add3A_136 : i32
      %dma_wait3A_138 = arith.constant 0 : i32
      %dma_wait3A_139 = arith.constant 0 : i32
      %dma_wait3A_140 = tpu.memref_slice %arg4[%dma_wait3A_138, %dma_wait3A_139] : memref<10240x128xf32, #tpu.memory_space<hbm>> -> memref<10240x128xf32, #tpu.memory_space<hbm>>
      tpu.wait_indirect_dma semaphore(%arg28 : memref<!tpu.dma_semaphore, #tpu.memory_space<semaphore_mem>>) src(%dma_wait3A_140 : memref<10240x128xf32, #tpu.memory_space<hbm>>) dst(%arg18 : memref<160x128xf32, #tpu.memory_space<vmem>>)
      %dma_wait3A_141 = arith.constant 0 : i32
      %dma_wait3A_142 = tpu.memref_slice %arg5[%dma_wait3A_141] : memref<10240xf32, #tpu.memory_space<hbm>> -> memref<10240xf32, #tpu.memory_space<hbm>>
      tpu.wait_indirect_dma semaphore(%arg30 : memref<!tpu.dma_semaphore, #tpu.memory_space<semaphore_mem>>) src(%dma_wait3A_142 : memref<10240xf32, #tpu.memory_space<hbm>>) dst(%arg20 : memref<160xf32, #tpu.memory_space<vmem>>)
      %dma_start3A_143 = arith.constant 0 : i32
      %dma_start3A_144 = arith.constant 0 : i32
      %dma_start3A_145 = tpu.memref_slice %arg22[%dma_start3A_143, %dma_start3A_144] : memref<10240x128xf32, #tpu.memory_space<vmem_shared>> -> memref<10240x128xf32, #tpu.memory_space<vmem_shared>>
      tpu.enqueue_indirect_dma source(%arg18 : memref<160x128xf32, #tpu.memory_space<vmem>>) target(%dma_start3A_145 : memref<10240x128xf32, #tpu.memory_space<vmem_shared>>) offsets(%arg14 : memref<160xi32, #tpu.memory_space<vmem>>) semaphore(%arg32 : memref<!tpu.dma_semaphore, #tpu.memory_space<semaphore_mem>>) {add = true}
      %dma_start3A_146 = arith.constant 0 : i32
      %dma_start3A_147 = tpu.memref_slice %arg23[%dma_start3A_146] : memref<10240xf32, #tpu.memory_space<vmem_shared>> -> memref<10240xf32, #tpu.memory_space<vmem_shared>>
      tpu.enqueue_indirect_dma source(%arg20 : memref<160xf32, #tpu.memory_space<vmem>>) target(%dma_start3A_147 : memref<10240xf32, #tpu.memory_space<vmem_shared>>) offsets(%arg10 : memref<160xi32, #tpu.memory_space<vmem>>) semaphore(%arg34 : memref<!tpu.dma_semaphore, #tpu.memory_space<semaphore_mem>>) {add = true}
      %add3A_148 = arith.constant 2 : i32
      %add3A_149 = arith.addi %add3A_137, %add3A_148 : i32
      %lt3A = arith.constant 62 : i32
      %lt3A_150 = arith.cmpi slt, %add3A_149, %lt3A : i32
      %convert_element_type3A = arith.extui %lt3A_150 : i1 to i32
      %cond3A = arith.constant 0 : i32
      %cond3A_151 = arith.cmpi ne, %convert_element_type3A, %cond3A : i32
      scf.if %cond3A_151 {
        %dma_wait3A_215 = arith.constant 0 : i32
        %dma_wait3A_216 = arith.constant 0 : i32
        %dma_wait3A_217 = tpu.memref_slice %arg22[%dma_wait3A_215, %dma_wait3A_216] : memref<10240x128xf32, #tpu.memory_space<vmem_shared>> -> memref<10240x128xf32, #tpu.memory_space<vmem_shared>>
        tpu.wait_indirect_dma semaphore(%arg32 : memref<!tpu.dma_semaphore, #tpu.memory_space<semaphore_mem>>) src(%arg18 : memref<160x128xf32, #tpu.memory_space<vmem>>) dst(%dma_wait3A_217 : memref<10240x128xf32, #tpu.memory_space<vmem_shared>>)
        %dma_wait3A_218 = arith.constant 0 : i32
        %dma_wait3A_219 = tpu.memref_slice %arg23[%dma_wait3A_218] : memref<10240xf32, #tpu.memory_space<vmem_shared>> -> memref<10240xf32, #tpu.memory_space<vmem_shared>>
        tpu.wait_indirect_dma semaphore(%arg34 : memref<!tpu.dma_semaphore, #tpu.memory_space<semaphore_mem>>) src(%arg20 : memref<160xf32, #tpu.memory_space<vmem>>) dst(%dma_wait3A_219 : memref<10240xf32, #tpu.memory_space<vmem_shared>>)
        %add3A_220 = arith.constant 2 : i32
        %add3A_221 = arith.addi %add3A_137, %add3A_220 : i32
        %mul3A_222 = arith.constant 160 : i32
        %mul3A_223 = arith.muli %add3A_221, %mul3A_222 : i32
        %add3A_224 = arith.addi %mul3A_4, %mul3A_223 : i32
        %dma_wait3A_225 = tpu.memref_slice %arg2[%add3A_224] : memref<320000xi32, #tpu.memory_space<hbm>> -> memref<160xi32, #tpu.memory_space<hbm>>
        %dma_wait3A_226 = tpu.memref_slice %arg2[%add3A_224] : memref<320000xi32, #tpu.memory_space<hbm>> -> memref<160xi32, #tpu.memory_space<hbm>>
        tpu.wait_dma2 semaphore(%arg26 : memref<!tpu.dma_semaphore, #tpu.memory_space<semaphore_mem>>) src(%dma_wait3A_226 : memref<160xi32, #tpu.memory_space<hbm>>) dst(%arg12 : memref<160xi32, #tpu.memory_space<vmem>>)
        %mul3A_227 = arith.constant 160 : i32
        %mul3A_228 = arith.muli %add3A_221, %mul3A_227 : i32
        %add3A_229 = arith.addi %mul3A_4, %mul3A_228 : i32
        %dma_wait3A_230 = tpu.memref_slice %arg3[%add3A_229] : memref<320000xi32, #tpu.memory_space<hbm>> -> memref<160xi32, #tpu.memory_space<hbm>>
        %dma_wait3A_231 = tpu.memref_slice %arg3[%add3A_229] : memref<320000xi32, #tpu.memory_space<hbm>> -> memref<160xi32, #tpu.memory_space<hbm>>
        tpu.wait_dma2 semaphore(%arg26 : memref<!tpu.dma_semaphore, #tpu.memory_space<semaphore_mem>>) src(%dma_wait3A_231 : memref<160xi32, #tpu.memory_space<hbm>>) dst(%arg16 : memref<160xi32, #tpu.memory_space<vmem>>)
        %dma_start3A_232 = arith.constant 0 : i32
        %dma_start3A_233 = arith.constant 0 : i32
        %dma_start3A_234 = tpu.memref_slice %arg4[%dma_start3A_232, %dma_start3A_233] : memref<10240x128xf32, #tpu.memory_space<hbm>> -> memref<10240x128xf32, #tpu.memory_space<hbm>>
        tpu.enqueue_indirect_dma source(%dma_start3A_234 : memref<10240x128xf32, #tpu.memory_space<hbm>>) target(%arg18 : memref<160x128xf32, #tpu.memory_space<vmem>>) offsets(%arg12 : memref<160xi32, #tpu.memory_space<vmem>>) semaphore(%arg28 : memref<!tpu.dma_semaphore, #tpu.memory_space<semaphore_mem>>)
        %dma_start3A_235 = arith.constant 0 : i32
        %dma_start3A_236 = tpu.memref_slice %arg5[%dma_start3A_235] : memref<10240xf32, #tpu.memory_space<hbm>> -> memref<10240xf32, #tpu.memory_space<hbm>>
        tpu.enqueue_indirect_dma source(%dma_start3A_236 : memref<10240xf32, #tpu.memory_space<hbm>>) target(%arg20 : memref<160xf32, #tpu.memory_space<vmem>>) offsets(%arg16 : memref<160xi32, #tpu.memory_space<vmem>>) semaphore(%arg30 : memref<!tpu.dma_semaphore, #tpu.memory_space<semaphore_mem>>)
        %add3A_237 = arith.constant 4 : i32
        %add3A_238 = arith.addi %add3A_137, %add3A_237 : i32
        %lt3A_239 = arith.constant 62 : i32
        %lt3A_240 = arith.cmpi slt, %add3A_238, %lt3A_239 : i32
        %convert_element_type3A_241 = arith.extui %lt3A_240 : i1 to i32
        %cond3A_242 = arith.constant 0 : i32
        %cond3A_243 = arith.cmpi ne, %convert_element_type3A_241, %cond3A_242 : i32
        scf.if %cond3A_243 {
          %add3A_244 = arith.constant 4 : i32
          %add3A_245 = arith.addi %add3A_137, %add3A_244 : i32
          %mul3A_246 = arith.constant 160 : i32
          %mul3A_247 = arith.muli %add3A_245, %mul3A_246 : i32
          %add3A_248 = arith.addi %mul3A_4, %mul3A_247 : i32
          %dma_start3A_249 = tpu.memref_slice %arg2[%add3A_248] : memref<320000xi32, #tpu.memory_space<hbm>> -> memref<160xi32, #tpu.memory_space<hbm>>
          %dma_start3A_250 = tpu.memref_slice %arg2[%add3A_248] : memref<320000xi32, #tpu.memory_space<hbm>> -> memref<160xi32, #tpu.memory_space<hbm>>
          tpu.enqueue_dma source(%dma_start3A_250 : memref<160xi32, #tpu.memory_space<hbm>>) target(%arg10 : memref<160xi32, #tpu.memory_space<vmem>>) target_semaphore(%arg24 : memref<!tpu.dma_semaphore, #tpu.memory_space<semaphore_mem>>)
          %mul3A_251 = arith.constant 160 : i32
          %mul3A_252 = arith.muli %add3A_245, %mul3A_251 : i32
          %add3A_253 = arith.addi %mul3A_4, %mul3A_252 : i32
          %dma_start3A_254 = tpu.memref_slice %arg3[%add3A_253] : memref<320000xi32, #tpu.memory_space<hbm>> -> memref<160xi32, #tpu.memory_space<hbm>>
          %dma_start3A_255 = tpu.memref_slice %arg3[%add3A_253] : memref<320000xi32, #tpu.memory_space<hbm>> -> memref<160xi32, #tpu.memory_space<hbm>>
          tpu.enqueue_dma source(%dma_start3A_255 : memref<160xi32, #tpu.memory_space<hbm>>) target(%arg14 : memref<160xi32, #tpu.memory_space<vmem>>) target_semaphore(%arg24 : memref<!tpu.dma_semaphore, #tpu.memory_space<semaphore_mem>>)
        } else {
        }
      } else {
      }
      %mul3A_152 = arith.constant 4 : i32
      %mul3A_153 = arith.muli %scan3A_133, %mul3A_152 : i32
      %add3A_154 = arith.constant 1 : i32
      %add3A_155 = arith.addi %mul3A_153, %add3A_154 : i32
      %dma_wait3A_156 = arith.constant 0 : i32
      %dma_wait3A_157 = arith.constant 0 : i32
      %dma_wait3A_158 = tpu.memref_slice %arg4[%dma_wait3A_156, %dma_wait3A_157] : memref<10240x128xf32, #tpu.memory_space<hbm>> -> memref<10240x128xf32, #tpu.memory_space<hbm>>
      tpu.wait_indirect_dma semaphore(%arg29 : memref<!tpu.dma_semaphore, #tpu.memory_space<semaphore_mem>>) src(%dma_wait3A_158 : memref<10240x128xf32, #tpu.memory_space<hbm>>) dst(%arg19 : memref<160x128xf32, #tpu.memory_space<vmem>>)
      %dma_wait3A_159 = arith.constant 0 : i32
      %dma_wait3A_160 = tpu.memref_slice %arg5[%dma_wait3A_159] : memref<10240xf32, #tpu.memory_space<hbm>> -> memref<10240xf32, #tpu.memory_space<hbm>>
      tpu.wait_indirect_dma semaphore(%arg31 : memref<!tpu.dma_semaphore, #tpu.memory_space<semaphore_mem>>) src(%dma_wait3A_160 : memref<10240xf32, #tpu.memory_space<hbm>>) dst(%arg21 : memref<160xf32, #tpu.memory_space<vmem>>)
      %dma_start3A_161 = arith.constant 0 : i32
      %dma_start3A_162 = arith.constant 0 : i32
      %dma_start3A_163 = tpu.memref_slice %arg22[%dma_start3A_161, %dma_start3A_162] : memref<10240x128xf32, #tpu.memory_space<vmem_shared>> -> memref<10240x128xf32, #tpu.memory_space<vmem_shared>>
      tpu.enqueue_indirect_dma source(%arg19 : memref<160x128xf32, #tpu.memory_space<vmem>>) target(%dma_start3A_163 : memref<10240x128xf32, #tpu.memory_space<vmem_shared>>) offsets(%arg15 : memref<160xi32, #tpu.memory_space<vmem>>) semaphore(%arg33 : memref<!tpu.dma_semaphore, #tpu.memory_space<semaphore_mem>>) {add = true}
      %dma_start3A_164 = arith.constant 0 : i32
      %dma_start3A_165 = tpu.memref_slice %arg23[%dma_start3A_164] : memref<10240xf32, #tpu.memory_space<vmem_shared>> -> memref<10240xf32, #tpu.memory_space<vmem_shared>>
      tpu.enqueue_indirect_dma source(%arg21 : memref<160xf32, #tpu.memory_space<vmem>>) target(%dma_start3A_165 : memref<10240xf32, #tpu.memory_space<vmem_shared>>) offsets(%arg11 : memref<160xi32, #tpu.memory_space<vmem>>) semaphore(%arg35 : memref<!tpu.dma_semaphore, #tpu.memory_space<semaphore_mem>>) {add = true}
      %add3A_166 = arith.constant 2 : i32
      %add3A_167 = arith.addi %add3A_155, %add3A_166 : i32
      %lt3A_168 = arith.constant 62 : i32
      %lt3A_169 = arith.cmpi slt, %add3A_167, %lt3A_168 : i32
      %convert_element_type3A_170 = arith.extui %lt3A_169 : i1 to i32
      %cond3A_171 = arith.constant 0 : i32
      %cond3A_172 = arith.cmpi ne, %convert_element_type3A_170, %cond3A_171 : i32
      scf.if %cond3A_172 {
        %dma_wait3A_215 = arith.constant 0 : i32
        %dma_wait3A_216 = arith.constant 0 : i32
        %dma_wait3A_217 = tpu.memref_slice %arg22[%dma_wait3A_215, %dma_wait3A_216] : memref<10240x128xf32, #tpu.memory_space<vmem_shared>> -> memref<10240x128xf32, #tpu.memory_space<vmem_shared>>
        tpu.wait_indirect_dma semaphore(%arg33 : memref<!tpu.dma_semaphore, #tpu.memory_space<semaphore_mem>>) src(%arg19 : memref<160x128xf32, #tpu.memory_space<vmem>>) dst(%dma_wait3A_217 : memref<10240x128xf32, #tpu.memory_space<vmem_shared>>)
        %dma_wait3A_218 = arith.constant 0 : i32
        %dma_wait3A_219 = tpu.memref_slice %arg23[%dma_wait3A_218] : memref<10240xf32, #tpu.memory_space<vmem_shared>> -> memref<10240xf32, #tpu.memory_space<vmem_shared>>
        tpu.wait_indirect_dma semaphore(%arg35 : memref<!tpu.dma_semaphore, #tpu.memory_space<semaphore_mem>>) src(%arg21 : memref<160xf32, #tpu.memory_space<vmem>>) dst(%dma_wait3A_219 : memref<10240xf32, #tpu.memory_space<vmem_shared>>)
        %add3A_220 = arith.constant 2 : i32
        %add3A_221 = arith.addi %add3A_155, %add3A_220 : i32
        %mul3A_222 = arith.constant 160 : i32
        %mul3A_223 = arith.muli %add3A_221, %mul3A_222 : i32
        %add3A_224 = arith.addi %mul3A_4, %mul3A_223 : i32
        %dma_wait3A_225 = tpu.memref_slice %arg2[%add3A_224] : memref<320000xi32, #tpu.memory_space<hbm>> -> memref<160xi32, #tpu.memory_space<hbm>>
        %dma_wait3A_226 = tpu.memref_slice %arg2[%add3A_224] : memref<320000xi32, #tpu.memory_space<hbm>> -> memref<160xi32, #tpu.memory_space<hbm>>
        tpu.wait_dma2 semaphore(%arg27 : memref<!tpu.dma_semaphore, #tpu.memory_space<semaphore_mem>>) src(%dma_wait3A_226 : memref<160xi32, #tpu.memory_space<hbm>>) dst(%arg13 : memref<160xi32, #tpu.memory_space<vmem>>)
        %mul3A_227 = arith.constant 160 : i32
        %mul3A_228 = arith.muli %add3A_221, %mul3A_227 : i32
        %add3A_229 = arith.addi %mul3A_4, %mul3A_228 : i32
        %dma_wait3A_230 = tpu.memref_slice %arg3[%add3A_229] : memref<320000xi32, #tpu.memory_space<hbm>> -> memref<160xi32, #tpu.memory_space<hbm>>
        %dma_wait3A_231 = tpu.memref_slice %arg3[%add3A_229] : memref<320000xi32, #tpu.memory_space<hbm>> -> memref<160xi32, #tpu.memory_space<hbm>>
        tpu.wait_dma2 semaphore(%arg27 : memref<!tpu.dma_semaphore, #tpu.memory_space<semaphore_mem>>) src(%dma_wait3A_231 : memref<160xi32, #tpu.memory_space<hbm>>) dst(%arg17 : memref<160xi32, #tpu.memory_space<vmem>>)
        %dma_start3A_232 = arith.constant 0 : i32
        %dma_start3A_233 = arith.constant 0 : i32
        %dma_start3A_234 = tpu.memref_slice %arg4[%dma_start3A_232, %dma_start3A_233] : memref<10240x128xf32, #tpu.memory_space<hbm>> -> memref<10240x128xf32, #tpu.memory_space<hbm>>
        tpu.enqueue_indirect_dma source(%dma_start3A_234 : memref<10240x128xf32, #tpu.memory_space<hbm>>) target(%arg19 : memref<160x128xf32, #tpu.memory_space<vmem>>) offsets(%arg13 : memref<160xi32, #tpu.memory_space<vmem>>) semaphore(%arg29 : memref<!tpu.dma_semaphore, #tpu.memory_space<semaphore_mem>>)
        %dma_start3A_235 = arith.constant 0 : i32
        %dma_start3A_236 = tpu.memref_slice %arg5[%dma_start3A_235] : memref<10240xf32, #tpu.memory_space<hbm>> -> memref<10240xf32, #tpu.memory_space<hbm>>
        tpu.enqueue_indirect_dma source(%dma_start3A_236 : memref<10240xf32, #tpu.memory_space<hbm>>) target(%arg21 : memref<160xf32, #tpu.memory_space<vmem>>) offsets(%arg17 : memref<160xi32, #tpu.memory_space<vmem>>) semaphore(%arg31 : memref<!tpu.dma_semaphore, #tpu.memory_space<semaphore_mem>>)
        %add3A_237 = arith.constant 4 : i32
        %add3A_238 = arith.addi %add3A_155, %add3A_237 : i32
        %lt3A_239 = arith.constant 62 : i32
        %lt3A_240 = arith.cmpi slt, %add3A_238, %lt3A_239 : i32
        %convert_element_type3A_241 = arith.extui %lt3A_240 : i1 to i32
        %cond3A_242 = arith.constant 0 : i32
        %cond3A_243 = arith.cmpi ne, %convert_element_type3A_241, %cond3A_242 : i32
        scf.if %cond3A_243 {
          %add3A_244 = arith.constant 4 : i32
          %add3A_245 = arith.addi %add3A_155, %add3A_244 : i32
          %mul3A_246 = arith.constant 160 : i32
          %mul3A_247 = arith.muli %add3A_245, %mul3A_246 : i32
          %add3A_248 = arith.addi %mul3A_4, %mul3A_247 : i32
          %dma_start3A_249 = tpu.memref_slice %arg2[%add3A_248] : memref<320000xi32, #tpu.memory_space<hbm>> -> memref<160xi32, #tpu.memory_space<hbm>>
          %dma_start3A_250 = tpu.memref_slice %arg2[%add3A_248] : memref<320000xi32, #tpu.memory_space<hbm>> -> memref<160xi32, #tpu.memory_space<hbm>>
          tpu.enqueue_dma source(%dma_start3A_250 : memref<160xi32, #tpu.memory_space<hbm>>) target(%arg11 : memref<160xi32, #tpu.memory_space<vmem>>) target_semaphore(%arg25 : memref<!tpu.dma_semaphore, #tpu.memory_space<semaphore_mem>>)
          %mul3A_251 = arith.constant 160 : i32
          %mul3A_252 = arith.muli %add3A_245, %mul3A_251 : i32
          %add3A_253 = arith.addi %mul3A_4, %mul3A_252 : i32
          %dma_start3A_254 = tpu.memref_slice %arg3[%add3A_253] : memref<320000xi32, #tpu.memory_space<hbm>> -> memref<160xi32, #tpu.memory_space<hbm>>
          %dma_start3A_255 = tpu.memref_slice %arg3[%add3A_253] : memref<320000xi32, #tpu.memory_space<hbm>> -> memref<160xi32, #tpu.memory_space<hbm>>
          tpu.enqueue_dma source(%dma_start3A_255 : memref<160xi32, #tpu.memory_space<hbm>>) target(%arg15 : memref<160xi32, #tpu.memory_space<vmem>>) target_semaphore(%arg25 : memref<!tpu.dma_semaphore, #tpu.memory_space<semaphore_mem>>)
        } else {
        }
      } else {
      }
      %mul3A_173 = arith.constant 4 : i32
      %mul3A_174 = arith.muli %scan3A_133, %mul3A_173 : i32
      %add3A_175 = arith.constant 2 : i32
      %add3A_176 = arith.addi %mul3A_174, %add3A_175 : i32
      %dma_wait3A_177 = arith.constant 0 : i32
      %dma_wait3A_178 = arith.constant 0 : i32
      %dma_wait3A_179 = tpu.memref_slice %arg4[%dma_wait3A_177, %dma_wait3A_178] : memref<10240x128xf32, #tpu.memory_space<hbm>> -> memref<10240x128xf32, #tpu.memory_space<hbm>>
      tpu.wait_indirect_dma semaphore(%arg28 : memref<!tpu.dma_semaphore, #tpu.memory_space<semaphore_mem>>) src(%dma_wait3A_179 : memref<10240x128xf32, #tpu.memory_space<hbm>>) dst(%arg18 : memref<160x128xf32, #tpu.memory_space<vmem>>)
      %dma_wait3A_180 = arith.constant 0 : i32
      %dma_wait3A_181 = tpu.memref_slice %arg5[%dma_wait3A_180] : memref<10240xf32, #tpu.memory_space<hbm>> -> memref<10240xf32, #tpu.memory_space<hbm>>
      tpu.wait_indirect_dma semaphore(%arg30 : memref<!tpu.dma_semaphore, #tpu.memory_space<semaphore_mem>>) src(%dma_wait3A_181 : memref<10240xf32, #tpu.memory_space<hbm>>) dst(%arg20 : memref<160xf32, #tpu.memory_space<vmem>>)
      %dma_start3A_182 = arith.constant 0 : i32
      %dma_start3A_183 = arith.constant 0 : i32
      %dma_start3A_184 = tpu.memref_slice %arg22[%dma_start3A_182, %dma_start3A_183] : memref<10240x128xf32, #tpu.memory_space<vmem_shared>> -> memref<10240x128xf32, #tpu.memory_space<vmem_shared>>
      tpu.enqueue_indirect_dma source(%arg18 : memref<160x128xf32, #tpu.memory_space<vmem>>) target(%dma_start3A_184 : memref<10240x128xf32, #tpu.memory_space<vmem_shared>>) offsets(%arg16 : memref<160xi32, #tpu.memory_space<vmem>>) semaphore(%arg32 : memref<!tpu.dma_semaphore, #tpu.memory_space<semaphore_mem>>) {add = true}
      %dma_start3A_185 = arith.constant 0 : i32
      %dma_start3A_186 = tpu.memref_slice %arg23[%dma_start3A_185] : memref<10240xf32, #tpu.memory_space<vmem_shared>> -> memref<10240xf32, #tpu.memory_space<vmem_shared>>
      tpu.enqueue_indirect_dma source(%arg20 : memref<160xf32, #tpu.memory_space<vmem>>) target(%dma_start3A_186 : memref<10240xf32, #tpu.memory_space<vmem_shared>>) offsets(%arg12 : memref<160xi32, #tpu.memory_space<vmem>>) semaphore(%arg34 : memref<!tpu.dma_semaphore, #tpu.memory_space<semaphore_mem>>) {add = true}
      %add3A_187 = arith.constant 2 : i32
      %add3A_188 = arith.addi %add3A_176, %add3A_187 : i32
      %lt3A_189 = arith.constant 62 : i32
      %lt3A_190 = arith.cmpi slt, %add3A_188, %lt3A_189 : i32
      %convert_element_type3A_191 = arith.extui %lt3A_190 : i1 to i32
      %cond3A_192 = arith.constant 0 : i32
      %cond3A_193 = arith.cmpi ne, %convert_element_type3A_191, %cond3A_192 : i32
      scf.if %cond3A_193 {
        %dma_wait3A_215 = arith.constant 0 : i32
        %dma_wait3A_216 = arith.constant 0 : i32
        %dma_wait3A_217 = tpu.memref_slice %arg22[%dma_wait3A_215, %dma_wait3A_216] : memref<10240x128xf32, #tpu.memory_space<vmem_shared>> -> memref<10240x128xf32, #tpu.memory_space<vmem_shared>>
        tpu.wait_indirect_dma semaphore(%arg32 : memref<!tpu.dma_semaphore, #tpu.memory_space<semaphore_mem>>) src(%arg18 : memref<160x128xf32, #tpu.memory_space<vmem>>) dst(%dma_wait3A_217 : memref<10240x128xf32, #tpu.memory_space<vmem_shared>>)
        %dma_wait3A_218 = arith.constant 0 : i32
        %dma_wait3A_219 = tpu.memref_slice %arg23[%dma_wait3A_218] : memref<10240xf32, #tpu.memory_space<vmem_shared>> -> memref<10240xf32, #tpu.memory_space<vmem_shared>>
        tpu.wait_indirect_dma semaphore(%arg34 : memref<!tpu.dma_semaphore, #tpu.memory_space<semaphore_mem>>) src(%arg20 : memref<160xf32, #tpu.memory_space<vmem>>) dst(%dma_wait3A_219 : memref<10240xf32, #tpu.memory_space<vmem_shared>>)
        %add3A_220 = arith.constant 2 : i32
        %add3A_221 = arith.addi %add3A_176, %add3A_220 : i32
        %mul3A_222 = arith.constant 160 : i32
        %mul3A_223 = arith.muli %add3A_221, %mul3A_222 : i32
        %add3A_224 = arith.addi %mul3A_4, %mul3A_223 : i32
        %dma_wait3A_225 = tpu.memref_slice %arg2[%add3A_224] : memref<320000xi32, #tpu.memory_space<hbm>> -> memref<160xi32, #tpu.memory_space<hbm>>
        %dma_wait3A_226 = tpu.memref_slice %arg2[%add3A_224] : memref<320000xi32, #tpu.memory_space<hbm>> -> memref<160xi32, #tpu.memory_space<hbm>>
        tpu.wait_dma2 semaphore(%arg24 : memref<!tpu.dma_semaphore, #tpu.memory_space<semaphore_mem>>) src(%dma_wait3A_226 : memref<160xi32, #tpu.memory_space<hbm>>) dst(%arg10 : memref<160xi32, #tpu.memory_space<vmem>>)
        %mul3A_227 = arith.constant 160 : i32
        %mul3A_228 = arith.muli %add3A_221, %mul3A_227 : i32
        %add3A_229 = arith.addi %mul3A_4, %mul3A_228 : i32
        %dma_wait3A_230 = tpu.memref_slice %arg3[%add3A_229] : memref<320000xi32, #tpu.memory_space<hbm>> -> memref<160xi32, #tpu.memory_space<hbm>>
        %dma_wait3A_231 = tpu.memref_slice %arg3[%add3A_229] : memref<320000xi32, #tpu.memory_space<hbm>> -> memref<160xi32, #tpu.memory_space<hbm>>
        tpu.wait_dma2 semaphore(%arg24 : memref<!tpu.dma_semaphore, #tpu.memory_space<semaphore_mem>>) src(%dma_wait3A_231 : memref<160xi32, #tpu.memory_space<hbm>>) dst(%arg14 : memref<160xi32, #tpu.memory_space<vmem>>)
        %dma_start3A_232 = arith.constant 0 : i32
        %dma_start3A_233 = arith.constant 0 : i32
        %dma_start3A_234 = tpu.memref_slice %arg4[%dma_start3A_232, %dma_start3A_233] : memref<10240x128xf32, #tpu.memory_space<hbm>> -> memref<10240x128xf32, #tpu.memory_space<hbm>>
        tpu.enqueue_indirect_dma source(%dma_start3A_234 : memref<10240x128xf32, #tpu.memory_space<hbm>>) target(%arg18 : memref<160x128xf32, #tpu.memory_space<vmem>>) offsets(%arg10 : memref<160xi32, #tpu.memory_space<vmem>>) semaphore(%arg28 : memref<!tpu.dma_semaphore, #tpu.memory_space<semaphore_mem>>)
        %dma_start3A_235 = arith.constant 0 : i32
        %dma_start3A_236 = tpu.memref_slice %arg5[%dma_start3A_235] : memref<10240xf32, #tpu.memory_space<hbm>> -> memref<10240xf32, #tpu.memory_space<hbm>>
        tpu.enqueue_indirect_dma source(%dma_start3A_236 : memref<10240xf32, #tpu.memory_space<hbm>>) target(%arg20 : memref<160xf32, #tpu.memory_space<vmem>>) offsets(%arg14 : memref<160xi32, #tpu.memory_space<vmem>>) semaphore(%arg30 : memref<!tpu.dma_semaphore, #tpu.memory_space<semaphore_mem>>)
        %add3A_237 = arith.constant 4 : i32
        %add3A_238 = arith.addi %add3A_176, %add3A_237 : i32
        %lt3A_239 = arith.constant 62 : i32
        %lt3A_240 = arith.cmpi slt, %add3A_238, %lt3A_239 : i32
        %convert_element_type3A_241 = arith.extui %lt3A_240 : i1 to i32
        %cond3A_242 = arith.constant 0 : i32
        %cond3A_243 = arith.cmpi ne, %convert_element_type3A_241, %cond3A_242 : i32
        scf.if %cond3A_243 {
          %add3A_244 = arith.constant 4 : i32
          %add3A_245 = arith.addi %add3A_176, %add3A_244 : i32
          %mul3A_246 = arith.constant 160 : i32
          %mul3A_247 = arith.muli %add3A_245, %mul3A_246 : i32
          %add3A_248 = arith.addi %mul3A_4, %mul3A_247 : i32
          %dma_start3A_249 = tpu.memref_slice %arg2[%add3A_248] : memref<320000xi32, #tpu.memory_space<hbm>> -> memref<160xi32, #tpu.memory_space<hbm>>
          %dma_start3A_250 = tpu.memref_slice %arg2[%add3A_248] : memref<320000xi32, #tpu.memory_space<hbm>> -> memref<160xi32, #tpu.memory_space<hbm>>
          tpu.enqueue_dma source(%dma_start3A_250 : memref<160xi32, #tpu.memory_space<hbm>>) target(%arg12 : memref<160xi32, #tpu.memory_space<vmem>>) target_semaphore(%arg26 : memref<!tpu.dma_semaphore, #tpu.memory_space<semaphore_mem>>)
          %mul3A_251 = arith.constant 160 : i32
          %mul3A_252 = arith.muli %add3A_245, %mul3A_251 : i32
          %add3A_253 = arith.addi %mul3A_4, %mul3A_252 : i32
          %dma_start3A_254 = tpu.memref_slice %arg3[%add3A_253] : memref<320000xi32, #tpu.memory_space<hbm>> -> memref<160xi32, #tpu.memory_space<hbm>>
          %dma_start3A_255 = tpu.memref_slice %arg3[%add3A_253] : memref<320000xi32, #tpu.memory_space<hbm>> -> memref<160xi32, #tpu.memory_space<hbm>>
          tpu.enqueue_dma source(%dma_start3A_255 : memref<160xi32, #tpu.memory_space<hbm>>) target(%arg16 : memref<160xi32, #tpu.memory_space<vmem>>) target_semaphore(%arg26 : memref<!tpu.dma_semaphore, #tpu.memory_space<semaphore_mem>>)
        } else {
        }
      } else {
      }
      %mul3A_194 = arith.constant 4 : i32
      %mul3A_195 = arith.muli %scan3A_133, %mul3A_194 : i32
      %add3A_196 = arith.constant 3 : i32
      %add3A_197 = arith.addi %mul3A_195, %add3A_196 : i32
      %dma_wait3A_198 = arith.constant 0 : i32
      %dma_wait3A_199 = arith.constant 0 : i32
      %dma_wait3A_200 = tpu.memref_slice %arg4[%dma_wait3A_198, %dma_wait3A_199] : memref<10240x128xf32, #tpu.memory_space<hbm>> -> memref<10240x128xf32, #tpu.memory_space<hbm>>
      tpu.wait_indirect_dma semaphore(%arg29 : memref<!tpu.dma_semaphore, #tpu.memory_space<semaphore_mem>>) src(%dma_wait3A_200 : memref<10240x128xf32, #tpu.memory_space<hbm>>) dst(%arg19 : memref<160x128xf32, #tpu.memory_space<vmem>>)
      %dma_wait3A_201 = arith.constant 0 : i32
      %dma_wait3A_202 = tpu.memref_slice %arg5[%dma_wait3A_201] : memref<10240xf32, #tpu.memory_space<hbm>> -> memref<10240xf32, #tpu.memory_space<hbm>>
      tpu.wait_indirect_dma semaphore(%arg31 : memref<!tpu.dma_semaphore, #tpu.memory_space<semaphore_mem>>) src(%dma_wait3A_202 : memref<10240xf32, #tpu.memory_space<hbm>>) dst(%arg21 : memref<160xf32, #tpu.memory_space<vmem>>)
      %dma_start3A_203 = arith.constant 0 : i32
      %dma_start3A_204 = arith.constant 0 : i32
      %dma_start3A_205 = tpu.memref_slice %arg22[%dma_start3A_203, %dma_start3A_204] : memref<10240x128xf32, #tpu.memory_space<vmem_shared>> -> memref<10240x128xf32, #tpu.memory_space<vmem_shared>>
      tpu.enqueue_indirect_dma source(%arg19 : memref<160x128xf32, #tpu.memory_space<vmem>>) target(%dma_start3A_205 : memref<10240x128xf32, #tpu.memory_space<vmem_shared>>) offsets(%arg17 : memref<160xi32, #tpu.memory_space<vmem>>) semaphore(%arg33 : memref<!tpu.dma_semaphore, #tpu.memory_space<semaphore_mem>>) {add = true}
      %dma_start3A_206 = arith.constant 0 : i32
      %dma_start3A_207 = tpu.memref_slice %arg23[%dma_start3A_206] : memref<10240xf32, #tpu.memory_space<vmem_shared>> -> memref<10240xf32, #tpu.memory_space<vmem_shared>>
      tpu.enqueue_indirect_dma source(%arg21 : memref<160xf32, #tpu.memory_space<vmem>>) target(%dma_start3A_207 : memref<10240xf32, #tpu.memory_space<vmem_shared>>) offsets(%arg13 : memref<160xi32, #tpu.memory_space<vmem>>) semaphore(%arg35 : memref<!tpu.dma_semaphore, #tpu.memory_space<semaphore_mem>>) {add = true}
      %add3A_208 = arith.constant 2 : i32
      %add3A_209 = arith.addi %add3A_197, %add3A_208 : i32
      %lt3A_210 = arith.constant 62 : i32
      %lt3A_211 = arith.cmpi slt, %add3A_209, %lt3A_210 : i32
      %convert_element_type3A_212 = arith.extui %lt3A_211 : i1 to i32
      %cond3A_213 = arith.constant 0 : i32
      %cond3A_214 = arith.cmpi ne, %convert_element_type3A_212, %cond3A_213 : i32
      scf.if %cond3A_214 {
        %dma_wait3A_215 = arith.constant 0 : i32
        %dma_wait3A_216 = arith.constant 0 : i32
        %dma_wait3A_217 = tpu.memref_slice %arg22[%dma_wait3A_215, %dma_wait3A_216] : memref<10240x128xf32, #tpu.memory_space<vmem_shared>> -> memref<10240x128xf32, #tpu.memory_space<vmem_shared>>
        tpu.wait_indirect_dma semaphore(%arg33 : memref<!tpu.dma_semaphore, #tpu.memory_space<semaphore_mem>>) src(%arg19 : memref<160x128xf32, #tpu.memory_space<vmem>>) dst(%dma_wait3A_217 : memref<10240x128xf32, #tpu.memory_space<vmem_shared>>)
        %dma_wait3A_218 = arith.constant 0 : i32
        %dma_wait3A_219 = tpu.memref_slice %arg23[%dma_wait3A_218] : memref<10240xf32, #tpu.memory_space<vmem_shared>> -> memref<10240xf32, #tpu.memory_space<vmem_shared>>
        tpu.wait_indirect_dma semaphore(%arg35 : memref<!tpu.dma_semaphore, #tpu.memory_space<semaphore_mem>>) src(%arg21 : memref<160xf32, #tpu.memory_space<vmem>>) dst(%dma_wait3A_219 : memref<10240xf32, #tpu.memory_space<vmem_shared>>)
        %add3A_220 = arith.constant 2 : i32
        %add3A_221 = arith.addi %add3A_197, %add3A_220 : i32
        %mul3A_222 = arith.constant 160 : i32
        %mul3A_223 = arith.muli %add3A_221, %mul3A_222 : i32
        %add3A_224 = arith.addi %mul3A_4, %mul3A_223 : i32
        %dma_wait3A_225 = tpu.memref_slice %arg2[%add3A_224] : memref<320000xi32, #tpu.memory_space<hbm>> -> memref<160xi32, #tpu.memory_space<hbm>>
        %dma_wait3A_226 = tpu.memref_slice %arg2[%add3A_224] : memref<320000xi32, #tpu.memory_space<hbm>> -> memref<160xi32, #tpu.memory_space<hbm>>
        tpu.wait_dma2 semaphore(%arg25 : memref<!tpu.dma_semaphore, #tpu.memory_space<semaphore_mem>>) src(%dma_wait3A_226 : memref<160xi32, #tpu.memory_space<hbm>>) dst(%arg11 : memref<160xi32, #tpu.memory_space<vmem>>)
        %mul3A_227 = arith.constant 160 : i32
        %mul3A_228 = arith.muli %add3A_221, %mul3A_227 : i32
        %add3A_229 = arith.addi %mul3A_4, %mul3A_228 : i32
        %dma_wait3A_230 = tpu.memref_slice %arg3[%add3A_229] : memref<320000xi32, #tpu.memory_space<hbm>> -> memref<160xi32, #tpu.memory_space<hbm>>
        %dma_wait3A_231 = tpu.memref_slice %arg3[%add3A_229] : memref<320000xi32, #tpu.memory_space<hbm>> -> memref<160xi32, #tpu.memory_space<hbm>>
        tpu.wait_dma2 semaphore(%arg25 : memref<!tpu.dma_semaphore, #tpu.memory_space<semaphore_mem>>) src(%dma_wait3A_231 : memref<160xi32, #tpu.memory_space<hbm>>) dst(%arg15 : memref<160xi32, #tpu.memory_space<vmem>>)
        %dma_start3A_232 = arith.constant 0 : i32
        %dma_start3A_233 = arith.constant 0 : i32
        %dma_start3A_234 = tpu.memref_slice %arg4[%dma_start3A_232, %dma_start3A_233] : memref<10240x128xf32, #tpu.memory_space<hbm>> -> memref<10240x128xf32, #tpu.memory_space<hbm>>
        tpu.enqueue_indirect_dma source(%dma_start3A_234 : memref<10240x128xf32, #tpu.memory_space<hbm>>) target(%arg19 : memref<160x128xf32, #tpu.memory_space<vmem>>) offsets(%arg11 : memref<160xi32, #tpu.memory_space<vmem>>) semaphore(%arg29 : memref<!tpu.dma_semaphore, #tpu.memory_space<semaphore_mem>>)
        %dma_start3A_235 = arith.constant 0 : i32
        %dma_start3A_236 = tpu.memref_slice %arg5[%dma_start3A_235] : memref<10240xf32, #tpu.memory_space<hbm>> -> memref<10240xf32, #tpu.memory_space<hbm>>
        tpu.enqueue_indirect_dma source(%dma_start3A_236 : memref<10240xf32, #tpu.memory_space<hbm>>) target(%arg21 : memref<160xf32, #tpu.memory_space<vmem>>) offsets(%arg15 : memref<160xi32, #tpu.memory_space<vmem>>) semaphore(%arg31 : memref<!tpu.dma_semaphore, #tpu.memory_space<semaphore_mem>>)
        %add3A_237 = arith.constant 4 : i32
        %add3A_238 = arith.addi %add3A_197, %add3A_237 : i32
        %lt3A_239 = arith.constant 62 : i32
        %lt3A_240 = arith.cmpi slt, %add3A_238, %lt3A_239 : i32
        %convert_element_type3A_241 = arith.extui %lt3A_240 : i1 to i32
        %cond3A_242 = arith.constant 0 : i32
        %cond3A_243 = arith.cmpi ne, %convert_element_type3A_241, %cond3A_242 : i32
        scf.if %cond3A_243 {
          %add3A_244 = arith.constant 4 : i32
          %add3A_245 = arith.addi %add3A_197, %add3A_244 : i32
          %mul3A_246 = arith.constant 160 : i32
          %mul3A_247 = arith.muli %add3A_245, %mul3A_246 : i32
          %add3A_248 = arith.addi %mul3A_4, %mul3A_247 : i32
          %dma_start3A_249 = tpu.memref_slice %arg2[%add3A_248] : memref<320000xi32, #tpu.memory_space<hbm>> -> memref<160xi32, #tpu.memory_space<hbm>>
          %dma_start3A_250 = tpu.memref_slice %arg2[%add3A_248] : memref<320000xi32, #tpu.memory_space<hbm>> -> memref<160xi32, #tpu.memory_space<hbm>>
          tpu.enqueue_dma source(%dma_start3A_250 : memref<160xi32, #tpu.memory_space<hbm>>) target(%arg13 : memref<160xi32, #tpu.memory_space<vmem>>) target_semaphore(%arg27 : memref<!tpu.dma_semaphore, #tpu.memory_space<semaphore_mem>>)
          %mul3A_251 = arith.constant 160 : i32
          %mul3A_252 = arith.muli %add3A_245, %mul3A_251 : i32
          %add3A_253 = arith.addi %mul3A_4, %mul3A_252 : i32
          %dma_start3A_254 = tpu.memref_slice %arg3[%add3A_253] : memref<320000xi32, #tpu.memory_space<hbm>> -> memref<160xi32, #tpu.memory_space<hbm>>
          %dma_start3A_255 = tpu.memref_slice %arg3[%add3A_253] : memref<320000xi32, #tpu.memory_space<hbm>> -> memref<160xi32, #tpu.memory_space<hbm>>
          tpu.enqueue_dma source(%dma_start3A_255 : memref<160xi32, #tpu.memory_space<hbm>>) target(%arg17 : memref<160xi32, #tpu.memory_space<vmem>>) target_semaphore(%arg27 : memref<!tpu.dma_semaphore, #tpu.memory_space<semaphore_mem>>)
        } else {
        }
      } else {
      }
    }
    %scan3A_65 = arith.constant 15 : i32
    %dma_wait3A_66 = arith.constant 0 : i32
    %dma_wait3A_67 = arith.constant 0 : i32
    %dma_wait3A_68 = tpu.memref_slice %arg4[%dma_wait3A_66, %dma_wait3A_67] : memref<10240x128xf32, #tpu.memory_space<hbm>> -> memref<10240x128xf32, #tpu.memory_space<hbm>>
    tpu.wait_indirect_dma semaphore(%arg28 : memref<!tpu.dma_semaphore, #tpu.memory_space<semaphore_mem>>) src(%dma_wait3A_68 : memref<10240x128xf32, #tpu.memory_space<hbm>>) dst(%arg18 : memref<160x128xf32, #tpu.memory_space<vmem>>)
    %dma_wait3A_69 = arith.constant 0 : i32
    %dma_wait3A_70 = tpu.memref_slice %arg5[%dma_wait3A_69] : memref<10240xf32, #tpu.memory_space<hbm>> -> memref<10240xf32, #tpu.memory_space<hbm>>
    tpu.wait_indirect_dma semaphore(%arg30 : memref<!tpu.dma_semaphore, #tpu.memory_space<semaphore_mem>>) src(%dma_wait3A_70 : memref<10240xf32, #tpu.memory_space<hbm>>) dst(%arg20 : memref<160xf32, #tpu.memory_space<vmem>>)
    %dma_start3A_71 = arith.constant 0 : i32
    %dma_start3A_72 = arith.constant 0 : i32
    %dma_start3A_73 = tpu.memref_slice %arg22[%dma_start3A_71, %dma_start3A_72] : memref<10240x128xf32, #tpu.memory_space<vmem_shared>> -> memref<10240x128xf32, #tpu.memory_space<vmem_shared>>
    tpu.enqueue_indirect_dma source(%arg18 : memref<160x128xf32, #tpu.memory_space<vmem>>) target(%dma_start3A_73 : memref<10240x128xf32, #tpu.memory_space<vmem_shared>>) offsets(%arg14 : memref<160xi32, #tpu.memory_space<vmem>>) semaphore(%arg32 : memref<!tpu.dma_semaphore, #tpu.memory_space<semaphore_mem>>) {add = true}
    %dma_start3A_74 = arith.constant 0 : i32
    %dma_start3A_75 = tpu.memref_slice %arg23[%dma_start3A_74] : memref<10240xf32, #tpu.memory_space<vmem_shared>> -> memref<10240xf32, #tpu.memory_space<vmem_shared>>
    tpu.enqueue_indirect_dma source(%arg20 : memref<160xf32, #tpu.memory_space<vmem>>) target(%dma_start3A_75 : memref<10240xf32, #tpu.memory_space<vmem_shared>>) offsets(%arg10 : memref<160xi32, #tpu.memory_space<vmem>>) semaphore(%arg34 : memref<!tpu.dma_semaphore, #tpu.memory_space<semaphore_mem>>) {add = true}
    %dma_wait3A_76 = arith.constant 0 : i32
    %dma_wait3A_77 = arith.constant 0 : i32
    %dma_wait3A_78 = tpu.memref_slice %arg4[%dma_wait3A_76, %dma_wait3A_77] : memref<10240x128xf32, #tpu.memory_space<hbm>> -> memref<10240x128xf32, #tpu.memory_space<hbm>>
    tpu.wait_indirect_dma semaphore(%arg29 : memref<!tpu.dma_semaphore, #tpu.memory_space<semaphore_mem>>) src(%dma_wait3A_78 : memref<10240x128xf32, #tpu.memory_space<hbm>>) dst(%arg19 : memref<160x128xf32, #tpu.memory_space<vmem>>)
    %dma_wait3A_79 = arith.constant 0 : i32
    %dma_wait3A_80 = tpu.memref_slice %arg5[%dma_wait3A_79] : memref<10240xf32, #tpu.memory_space<hbm>> -> memref<10240xf32, #tpu.memory_space<hbm>>
    tpu.wait_indirect_dma semaphore(%arg31 : memref<!tpu.dma_semaphore, #tpu.memory_space<semaphore_mem>>) src(%dma_wait3A_80 : memref<10240xf32, #tpu.memory_space<hbm>>) dst(%arg21 : memref<160xf32, #tpu.memory_space<vmem>>)
    %dma_start3A_81 = arith.constant 0 : i32
    %dma_start3A_82 = arith.constant 0 : i32
    %dma_start3A_83 = tpu.memref_slice %arg22[%dma_start3A_81, %dma_start3A_82] : memref<10240x128xf32, #tpu.memory_space<vmem_shared>> -> memref<10240x128xf32, #tpu.memory_space<vmem_shared>>
    tpu.enqueue_indirect_dma source(%arg19 : memref<160x128xf32, #tpu.memory_space<vmem>>) target(%dma_start3A_83 : memref<10240x128xf32, #tpu.memory_space<vmem_shared>>) offsets(%arg15 : memref<160xi32, #tpu.memory_space<vmem>>) semaphore(%arg33 : memref<!tpu.dma_semaphore, #tpu.memory_space<semaphore_mem>>) {add = true}
    %dma_start3A_84 = arith.constant 0 : i32
    %dma_start3A_85 = tpu.memref_slice %arg23[%dma_start3A_84] : memref<10240xf32, #tpu.memory_space<vmem_shared>> -> memref<10240xf32, #tpu.memory_space<vmem_shared>>
    tpu.enqueue_indirect_dma source(%arg21 : memref<160xf32, #tpu.memory_space<vmem>>) target(%dma_start3A_85 : memref<10240xf32, #tpu.memory_space<vmem_shared>>) offsets(%arg11 : memref<160xi32, #tpu.memory_space<vmem>>) semaphore(%arg35 : memref<!tpu.dma_semaphore, #tpu.memory_space<semaphore_mem>>) {add = true}
    %add3A_86 = arith.constant 9920 : i32
    %add3A_87 = arith.addi %mul3A_4, %add3A_86 : i32
    "tpu.region"() ({
      %run_scoped3A = tpu.sem_alloc : memref<!tpu.dma_semaphore, #tpu.memory_space<semaphore_mem>>
      %dma_start3A_133 = arith.constant 0 : i32
      %dma_start3A_134 = tpu.memref_slice %arg12[%dma_start3A_133] : memref<160xi32, #tpu.memory_space<vmem>> -> memref<80xi32, #tpu.memory_space<vmem>>
      %dma_start3A_135 = tpu.memref_slice %arg2[%add3A_87] : memref<320000xi32, #tpu.memory_space<hbm>> -> memref<80xi32, #tpu.memory_space<hbm>>
      %dma_start3A_136 = arith.constant 0 : i32
      %dma_start3A_137 = tpu.memref_slice %arg12[%dma_start3A_136] : memref<160xi32, #tpu.memory_space<vmem>> -> memref<80xi32, #tpu.memory_space<vmem>>
      %dma_start3A_138 = tpu.memref_slice %arg2[%add3A_87] : memref<320000xi32, #tpu.memory_space<hbm>> -> memref<80xi32, #tpu.memory_space<hbm>>
      tpu.enqueue_dma source(%dma_start3A_138 : memref<80xi32, #tpu.memory_space<hbm>>) target(%dma_start3A_137 : memref<80xi32, #tpu.memory_space<vmem>>) target_semaphore(%run_scoped3A : memref<!tpu.dma_semaphore, #tpu.memory_space<semaphore_mem>>)
      %dma_wait3A_139 = arith.constant 0 : i32
      %dma_wait3A_140 = tpu.memref_slice %arg12[%dma_wait3A_139] : memref<160xi32, #tpu.memory_space<vmem>> -> memref<80xi32, #tpu.memory_space<vmem>>
      %dma_wait3A_141 = tpu.memref_slice %arg2[%add3A_87] : memref<320000xi32, #tpu.memory_space<hbm>> -> memref<80xi32, #tpu.memory_space<hbm>>
      %dma_wait3A_142 = arith.constant 0 : i32
      %dma_wait3A_143 = tpu.memref_slice %arg12[%dma_wait3A_142] : memref<160xi32, #tpu.memory_space<vmem>> -> memref<80xi32, #tpu.memory_space<vmem>>
      %dma_wait3A_144 = tpu.memref_slice %arg2[%add3A_87] : memref<320000xi32, #tpu.memory_space<hbm>> -> memref<80xi32, #tpu.memory_space<hbm>>
      tpu.wait_dma2 semaphore(%run_scoped3A : memref<!tpu.dma_semaphore, #tpu.memory_space<semaphore_mem>>) src(%dma_wait3A_144 : memref<80xi32, #tpu.memory_space<hbm>>) dst(%dma_wait3A_143 : memref<80xi32, #tpu.memory_space<vmem>>)
      tpu.yield
    }) : () -> ()
    "tpu.region"() ({
      %run_scoped3A = tpu.sem_alloc : memref<!tpu.dma_semaphore, #tpu.memory_space<semaphore_mem>>
      %dma_start3A_133 = arith.constant 0 : i32
      %dma_start3A_134 = tpu.memref_slice %arg16[%dma_start3A_133] : memref<160xi32, #tpu.memory_space<vmem>> -> memref<80xi32, #tpu.memory_space<vmem>>
      %dma_start3A_135 = tpu.memref_slice %arg3[%add3A_87] : memref<320000xi32, #tpu.memory_space<hbm>> -> memref<80xi32, #tpu.memory_space<hbm>>
      %dma_start3A_136 = arith.constant 0 : i32
      %dma_start3A_137 = tpu.memref_slice %arg16[%dma_start3A_136] : memref<160xi32, #tpu.memory_space<vmem>> -> memref<80xi32, #tpu.memory_space<vmem>>
      %dma_start3A_138 = tpu.memref_slice %arg3[%add3A_87] : memref<320000xi32, #tpu.memory_space<hbm>> -> memref<80xi32, #tpu.memory_space<hbm>>
      tpu.enqueue_dma source(%dma_start3A_138 : memref<80xi32, #tpu.memory_space<hbm>>) target(%dma_start3A_137 : memref<80xi32, #tpu.memory_space<vmem>>) target_semaphore(%run_scoped3A : memref<!tpu.dma_semaphore, #tpu.memory_space<semaphore_mem>>)
      %dma_wait3A_139 = arith.constant 0 : i32
      %dma_wait3A_140 = tpu.memref_slice %arg16[%dma_wait3A_139] : memref<160xi32, #tpu.memory_space<vmem>> -> memref<80xi32, #tpu.memory_space<vmem>>
      %dma_wait3A_141 = tpu.memref_slice %arg3[%add3A_87] : memref<320000xi32, #tpu.memory_space<hbm>> -> memref<80xi32, #tpu.memory_space<hbm>>
      %dma_wait3A_142 = arith.constant 0 : i32
      %dma_wait3A_143 = tpu.memref_slice %arg16[%dma_wait3A_142] : memref<160xi32, #tpu.memory_space<vmem>> -> memref<80xi32, #tpu.memory_space<vmem>>
      %dma_wait3A_144 = tpu.memref_slice %arg3[%add3A_87] : memref<320000xi32, #tpu.memory_space<hbm>> -> memref<80xi32, #tpu.memory_space<hbm>>
      tpu.wait_dma2 semaphore(%run_scoped3A : memref<!tpu.dma_semaphore, #tpu.memory_space<semaphore_mem>>) src(%dma_wait3A_144 : memref<80xi32, #tpu.memory_space<hbm>>) dst(%dma_wait3A_143 : memref<80xi32, #tpu.memory_space<vmem>>)
      tpu.yield
    }) : () -> ()
    %dma_wait3A_88 = arith.constant 0 : i32
    %dma_wait3A_89 = arith.constant 0 : i32
    %dma_wait3A_90 = tpu.memref_slice %arg22[%dma_wait3A_88, %dma_wait3A_89] : memref<10240x128xf32, #tpu.memory_space<vmem_shared>> -> memref<10240x128xf32, #tpu.memory_space<vmem_shared>>
    tpu.wait_indirect_dma semaphore(%arg32 : memref<!tpu.dma_semaphore, #tpu.memory_space<semaphore_mem>>) src(%arg18 : memref<160x128xf32, #tpu.memory_space<vmem>>) dst(%dma_wait3A_90 : memref<10240x128xf32, #tpu.memory_space<vmem_shared>>)
    %dma_wait3A_91 = arith.constant 0 : i32
    %dma_wait3A_92 = tpu.memref_slice %arg23[%dma_wait3A_91] : memref<10240xf32, #tpu.memory_space<vmem_shared>> -> memref<10240xf32, #tpu.memory_space<vmem_shared>>
    tpu.wait_indirect_dma semaphore(%arg34 : memref<!tpu.dma_semaphore, #tpu.memory_space<semaphore_mem>>) src(%arg20 : memref<160xf32, #tpu.memory_space<vmem>>) dst(%dma_wait3A_92 : memref<10240xf32, #tpu.memory_space<vmem_shared>>)
    %dma_start3A_93 = arith.constant 0 : i32
    %dma_start3A_94 = arith.constant 0 : i32
    %dma_start3A_95 = tpu.memref_slice %arg18[%dma_start3A_93, %dma_start3A_94] : memref<160x128xf32, #tpu.memory_space<vmem>> -> memref<80x128xf32, #tpu.memory_space<vmem>>
    %dma_start3A_96 = arith.constant 0 : i32
    %dma_start3A_97 = tpu.memref_slice %arg12[%dma_start3A_96] : memref<160xi32, #tpu.memory_space<vmem>> -> memref<80xi32, #tpu.memory_space<vmem>>
    %dma_start3A_98 = arith.constant 0 : i32
    %dma_start3A_99 = arith.constant 0 : i32
    %dma_start3A_100 = tpu.memref_slice %arg4[%dma_start3A_98, %dma_start3A_99] : memref<10240x128xf32, #tpu.memory_space<hbm>> -> memref<10240x128xf32, #tpu.memory_space<hbm>>
    tpu.enqueue_indirect_dma source(%dma_start3A_100 : memref<10240x128xf32, #tpu.memory_space<hbm>>) target(%dma_start3A_95 : memref<80x128xf32, #tpu.memory_space<vmem>>) offsets(%dma_start3A_97 : memref<80xi32, #tpu.memory_space<vmem>>) semaphore(%arg28 : memref<!tpu.dma_semaphore, #tpu.memory_space<semaphore_mem>>)
    %dma_wait3A_101 = arith.constant 0 : i32
    %dma_wait3A_102 = arith.constant 0 : i32
    %dma_wait3A_103 = tpu.memref_slice %arg18[%dma_wait3A_101, %dma_wait3A_102] : memref<160x128xf32, #tpu.memory_space<vmem>> -> memref<80x128xf32, #tpu.memory_space<vmem>>
    %dma_wait3A_104 = arith.constant 0 : i32
    %dma_wait3A_105 = tpu.memref_slice %arg12[%dma_wait3A_104] : memref<160xi32, #tpu.memory_space<vmem>> -> memref<80xi32, #tpu.memory_space<vmem>>
    %dma_wait3A_106 = arith.constant 0 : i32
    %dma_wait3A_107 = arith.constant 0 : i32
    %dma_wait3A_108 = tpu.memref_slice %arg4[%dma_wait3A_106, %dma_wait3A_107] : memref<10240x128xf32, #tpu.memory_space<hbm>> -> memref<10240x128xf32, #tpu.memory_space<hbm>>
    tpu.wait_indirect_dma semaphore(%arg28 : memref<!tpu.dma_semaphore, #tpu.memory_space<semaphore_mem>>) src(%dma_wait3A_108 : memref<10240x128xf32, #tpu.memory_space<hbm>>) dst(%dma_wait3A_103 : memref<80x128xf32, #tpu.memory_space<vmem>>)
    %dma_start3A_109 = arith.constant 0 : i32
    %dma_start3A_110 = tpu.memref_slice %arg20[%dma_start3A_109] : memref<160xf32, #tpu.memory_space<vmem>> -> memref<80xf32, #tpu.memory_space<vmem>>
    %dma_start3A_111 = arith.constant 0 : i32
    %dma_start3A_112 = tpu.memref_slice %arg16[%dma_start3A_111] : memref<160xi32, #tpu.memory_space<vmem>> -> memref<80xi32, #tpu.memory_space<vmem>>
    %dma_start3A_113 = arith.constant 0 : i32
    %dma_start3A_114 = tpu.memref_slice %arg5[%dma_start3A_113] : memref<10240xf32, #tpu.memory_space<hbm>> -> memref<10240xf32, #tpu.memory_space<hbm>>
    tpu.enqueue_indirect_dma source(%dma_start3A_114 : memref<10240xf32, #tpu.memory_space<hbm>>) target(%dma_start3A_110 : memref<80xf32, #tpu.memory_space<vmem>>) offsets(%dma_start3A_112 : memref<80xi32, #tpu.memory_space<vmem>>) semaphore(%arg30 : memref<!tpu.dma_semaphore, #tpu.memory_space<semaphore_mem>>)
    %dma_wait3A_115 = arith.constant 0 : i32
    %dma_wait3A_116 = tpu.memref_slice %arg20[%dma_wait3A_115] : memref<160xf32, #tpu.memory_space<vmem>> -> memref<80xf32, #tpu.memory_space<vmem>>
    %dma_wait3A_117 = arith.constant 0 : i32
    %dma_wait3A_118 = tpu.memref_slice %arg16[%dma_wait3A_117] : memref<160xi32, #tpu.memory_space<vmem>> -> memref<80xi32, #tpu.memory_space<vmem>>
    %dma_wait3A_119 = arith.constant 0 : i32
    %dma_wait3A_120 = tpu.memref_slice %arg5[%dma_wait3A_119] : memref<10240xf32, #tpu.memory_space<hbm>> -> memref<10240xf32, #tpu.memory_space<hbm>>
    tpu.wait_indirect_dma semaphore(%arg30 : memref<!tpu.dma_semaphore, #tpu.memory_space<semaphore_mem>>) src(%dma_wait3A_120 : memref<10240xf32, #tpu.memory_space<hbm>>) dst(%dma_wait3A_116 : memref<80xf32, #tpu.memory_space<vmem>>)
    "tpu.region"() ({
      %run_scoped3A = tpu.sem_alloc : memref<!tpu.dma_semaphore, #tpu.memory_space<semaphore_mem>>
      %dma_start3A_133 = arith.constant 0 : i32
      %dma_start3A_134 = arith.constant 0 : i32
      %dma_start3A_135 = tpu.memref_slice %arg18[%dma_start3A_133, %dma_start3A_134] : memref<160x128xf32, #tpu.memory_space<vmem>> -> memref<80x128xf32, #tpu.memory_space<vmem>>
      %dma_start3A_136 = arith.constant 0 : i32
      %dma_start3A_137 = tpu.memref_slice %arg16[%dma_start3A_136] : memref<160xi32, #tpu.memory_space<vmem>> -> memref<80xi32, #tpu.memory_space<vmem>>
      %dma_start3A_138 = arith.constant 0 : i32
      %dma_start3A_139 = arith.constant 0 : i32
      %dma_start3A_140 = tpu.memref_slice %arg22[%dma_start3A_138, %dma_start3A_139] : memref<10240x128xf32, #tpu.memory_space<vmem_shared>> -> memref<10240x128xf32, #tpu.memory_space<vmem_shared>>
      tpu.enqueue_indirect_dma source(%dma_start3A_135 : memref<80x128xf32, #tpu.memory_space<vmem>>) target(%dma_start3A_140 : memref<10240x128xf32, #tpu.memory_space<vmem_shared>>) offsets(%dma_start3A_137 : memref<80xi32, #tpu.memory_space<vmem>>) semaphore(%run_scoped3A : memref<!tpu.dma_semaphore, #tpu.memory_space<semaphore_mem>>) {add = true}
      %dma_wait3A_141 = arith.constant 0 : i32
      %dma_wait3A_142 = arith.constant 0 : i32
      %dma_wait3A_143 = tpu.memref_slice %arg18[%dma_wait3A_141, %dma_wait3A_142] : memref<160x128xf32, #tpu.memory_space<vmem>> -> memref<80x128xf32, #tpu.memory_space<vmem>>
      %dma_wait3A_144 = arith.constant 0 : i32
      %dma_wait3A_145 = tpu.memref_slice %arg16[%dma_wait3A_144] : memref<160xi32, #tpu.memory_space<vmem>> -> memref<80xi32, #tpu.memory_space<vmem>>
      %dma_wait3A_146 = arith.constant 0 : i32
      %dma_wait3A_147 = arith.constant 0 : i32
      %dma_wait3A_148 = tpu.memref_slice %arg22[%dma_wait3A_146, %dma_wait3A_147] : memref<10240x128xf32, #tpu.memory_space<vmem_shared>> -> memref<10240x128xf32, #tpu.memory_space<vmem_shared>>
      tpu.wait_indirect_dma semaphore(%run_scoped3A : memref<!tpu.dma_semaphore, #tpu.memory_space<semaphore_mem>>) src(%dma_wait3A_143 : memref<80x128xf32, #tpu.memory_space<vmem>>) dst(%dma_wait3A_148 : memref<10240x128xf32, #tpu.memory_space<vmem_shared>>)
      tpu.yield
    }) : () -> ()
    "tpu.region"() ({
      %run_scoped3A = tpu.sem_alloc : memref<!tpu.dma_semaphore, #tpu.memory_space<semaphore_mem>>
      %dma_start3A_133 = arith.constant 0 : i32
      %dma_start3A_134 = tpu.memref_slice %arg20[%dma_start3A_133] : memref<160xf32, #tpu.memory_space<vmem>> -> memref<80xf32, #tpu.memory_space<vmem>>
      %dma_start3A_135 = arith.constant 0 : i32
      %dma_start3A_136 = tpu.memref_slice %arg12[%dma_start3A_135] : memref<160xi32, #tpu.memory_space<vmem>> -> memref<80xi32, #tpu.memory_space<vmem>>
      %dma_start3A_137 = arith.constant 0 : i32
      %dma_start3A_138 = tpu.memref_slice %arg23[%dma_start3A_137] : memref<10240xf32, #tpu.memory_space<vmem_shared>> -> memref<10240xf32, #tpu.memory_space<vmem_shared>>
      tpu.enqueue_indirect_dma source(%dma_start3A_134 : memref<80xf32, #tpu.memory_space<vmem>>) target(%dma_start3A_138 : memref<10240xf32, #tpu.memory_space<vmem_shared>>) offsets(%dma_start3A_136 : memref<80xi32, #tpu.memory_space<vmem>>) semaphore(%run_scoped3A : memref<!tpu.dma_semaphore, #tpu.memory_space<semaphore_mem>>) {add = true}
      %dma_wait3A_139 = arith.constant 0 : i32
      %dma_wait3A_140 = tpu.memref_slice %arg20[%dma_wait3A_139] : memref<160xf32, #tpu.memory_space<vmem>> -> memref<80xf32, #tpu.memory_space<vmem>>
      %dma_wait3A_141 = arith.constant 0 : i32
      %dma_wait3A_142 = tpu.memref_slice %arg12[%dma_wait3A_141] : memref<160xi32, #tpu.memory_space<vmem>> -> memref<80xi32, #tpu.memory_space<vmem>>
      %dma_wait3A_143 = arith.constant 0 : i32
      %dma_wait3A_144 = tpu.memref_slice %arg23[%dma_wait3A_143] : memref<10240xf32, #tpu.memory_space<vmem_shared>> -> memref<10240xf32, #tpu.memory_space<vmem_shared>>
      tpu.wait_indirect_dma semaphore(%run_scoped3A : memref<!tpu.dma_semaphore, #tpu.memory_space<semaphore_mem>>) src(%dma_wait3A_140 : memref<80xf32, #tpu.memory_space<vmem>>) dst(%dma_wait3A_144 : memref<10240xf32, #tpu.memory_space<vmem_shared>>)
      tpu.yield
    }) : () -> ()
    %dma_wait3A_121 = arith.constant 0 : i32
    %dma_wait3A_122 = arith.constant 0 : i32
    %dma_wait3A_123 = tpu.memref_slice %arg22[%dma_wait3A_121, %dma_wait3A_122] : memref<10240x128xf32, #tpu.memory_space<vmem_shared>> -> memref<10240x128xf32, #tpu.memory_space<vmem_shared>>
    tpu.wait_indirect_dma semaphore(%arg33 : memref<!tpu.dma_semaphore, #tpu.memory_space<semaphore_mem>>) src(%arg19 : memref<160x128xf32, #tpu.memory_space<vmem>>) dst(%dma_wait3A_123 : memref<10240x128xf32, #tpu.memory_space<vmem_shared>>)
    %dma_wait3A_124 = arith.constant 0 : i32
    %dma_wait3A_125 = tpu.memref_slice %arg23[%dma_wait3A_124] : memref<10240xf32, #tpu.memory_space<vmem_shared>> -> memref<10240xf32, #tpu.memory_space<vmem_shared>>
    tpu.wait_indirect_dma semaphore(%arg35 : memref<!tpu.dma_semaphore, #tpu.memory_space<semaphore_mem>>) src(%arg21 : memref<160xf32, #tpu.memory_space<vmem>>) dst(%dma_wait3A_125 : memref<10240xf32, #tpu.memory_space<vmem_shared>>)
    %barrier3A_126 = arith.constant 0 : index
    tpu.barrier barrier_id(%barrier3A_126)
    %mul3A_127 = arith.constant 10240 : i32
    %mul3A_128 = arith.muli %arg0, %mul3A_127 : i32
    %add3A_129 = arith.addi %mul3A_128, %mul3A_2 : i32
    "tpu.region"() ({
      %run_scoped3A = tpu.sem_alloc : memref<!tpu.dma_semaphore, #tpu.memory_space<semaphore_mem>>
      %dma_start3A_133 = arith.constant 0 : i32
      %dma_start3A_134 = tpu.memref_slice %arg8[%add3A_129, %dma_start3A_133] : memref<20480x128xf32, #tpu.memory_space<hbm>> -> memref<640x128xf32, #tpu.memory_space<hbm>>
      %dma_start3A_135 = arith.constant 0 : i32
      %dma_start3A_136 = tpu.memref_slice %arg22[%mul3A_2, %dma_start3A_135] : memref<10240x128xf32, #tpu.memory_space<vmem_shared>> -> memref<640x128xf32, #tpu.memory_space<vmem_shared>>
      tpu.enqueue_dma source(%dma_start3A_136 : memref<640x128xf32, #tpu.memory_space<vmem_shared>>) target(%dma_start3A_134 : memref<640x128xf32, #tpu.memory_space<hbm>>) target_semaphore(%run_scoped3A : memref<!tpu.dma_semaphore, #tpu.memory_space<semaphore_mem>>)
      %dma_wait3A_137 = arith.constant 0 : i32
      %dma_wait3A_138 = tpu.memref_slice %arg8[%add3A_129, %dma_wait3A_137] : memref<20480x128xf32, #tpu.memory_space<hbm>> -> memref<640x128xf32, #tpu.memory_space<hbm>>
      %dma_wait3A_139 = arith.constant 0 : i32
      %dma_wait3A_140 = tpu.memref_slice %arg22[%mul3A_2, %dma_wait3A_139] : memref<10240x128xf32, #tpu.memory_space<vmem_shared>> -> memref<640x128xf32, #tpu.memory_space<vmem_shared>>
      tpu.wait_dma2 semaphore(%run_scoped3A : memref<!tpu.dma_semaphore, #tpu.memory_space<semaphore_mem>>) src(%dma_wait3A_140 : memref<640x128xf32, #tpu.memory_space<vmem_shared>>) dst(%dma_wait3A_138 : memref<640x128xf32, #tpu.memory_space<hbm>>)
      tpu.yield
    }) : () -> ()
    %mul3A_130 = arith.constant 10240 : i32
    %mul3A_131 = arith.muli %arg0, %mul3A_130 : i32
    %add3A_132 = arith.addi %mul3A_131, %mul3A_2 : i32
    "tpu.region"() ({
      %run_scoped3A = tpu.sem_alloc : memref<!tpu.dma_semaphore, #tpu.memory_space<semaphore_mem>>
      %dma_start3A_133 = tpu.memref_slice %arg9[%add3A_132] : memref<20480xf32, #tpu.memory_space<hbm>> -> memref<640xf32, #tpu.memory_space<hbm>>
      %dma_start3A_134 = tpu.memref_slice %arg23[%mul3A_2] : memref<10240xf32, #tpu.memory_space<vmem_shared>> -> memref<640xf32, #tpu.memory_space<vmem_shared>>
      tpu.enqueue_dma source(%dma_start3A_134 : memref<640xf32, #tpu.memory_space<vmem_shared>>) target(%dma_start3A_133 : memref<640xf32, #tpu.memory_space<hbm>>) target_semaphore(%run_scoped3A : memref<!tpu.dma_semaphore, #tpu.memory_space<semaphore_mem>>)
      %dma_wait3A_135 = tpu.memref_slice %arg9[%add3A_132] : memref<20480xf32, #tpu.memory_space<hbm>> -> memref<640xf32, #tpu.memory_space<hbm>>
      %dma_wait3A_136 = tpu.memref_slice %arg23[%mul3A_2] : memref<10240xf32, #tpu.memory_space<vmem_shared>> -> memref<640xf32, #tpu.memory_space<vmem_shared>>
      tpu.wait_dma2 semaphore(%run_scoped3A : memref<!tpu.dma_semaphore, #tpu.memory_space<semaphore_mem>>) src(%dma_wait3A_136 : memref<640xf32, #tpu.memory_space<vmem_shared>>) dst(%dma_wait3A_135 : memref<640xf32, #tpu.memory_space<hbm>>)
      tpu.yield
    }) : () -> ()
    return
  }
}

module attributes {stable_mosaic.version = 14 : i64} {
  func.func @_hs_body(%arg0: i32, %arg1: memref<640x128xf32, #tpu.memory_space<vmem>>, %arg2: memref<128x128xf32, #tpu.memory_space<vmem>>, %arg3: memref<640x1xf32, #tpu.memory_space<vmem>>, %arg4: memref<640x128xf32, #tpu.memory_space<vmem>>) attributes {dimension_semantics = [#tpu.dimension_semantics<arbitrary>], iteration_bounds = array<i64: 16>, scalar_prefetch = 0 : i64, scratch_operands = 0 : i64, tpu.core_type = #tpu.core_type<tc>, window_params = [{transform_indices = @transform_0, window_bounds = array<i64: 640, 128>}, {pipeline_mode = #tpu.pipeline_mode<synchronous>, transform_indices = @transform_1, window_bounds = array<i64: 128, 128>}, {transform_indices = @transform_2, window_bounds = array<i64: 640, 1>}, {transform_indices = @transform_3, window_bounds = array<i64: 640, 128>}]} {
    %get3A = arith.constant 0 : index
    %get3A_0 = arith.constant 0 : index
    %get3A_1 = vector.load %arg1[%get3A, %get3A_0] : memref<640x128xf32, #tpu.memory_space<vmem>>, vector<640x128xf32>
    %get3A_2 = arith.constant 0 : index
    %get3A_3 = arith.constant 0 : index
    %get3A_4 = vector.load %arg2[%get3A_2, %get3A_3] : memref<128x128xf32, #tpu.memory_space<vmem>>, vector<128x128xf32>
    %dot_general3A = arith.constant dense<0.000000e+00> : vector<640x128xf32>
    %dot_general3A_5 = tpu.matmul %get3A_1, %get3A_4, %dot_general3A {dimension_numbers = #tpu.dot_dimension_numbers<[1], [0], [0], [1], [0, 0, 1, 1], [], []>, transpose_lhs_hint = false} : vector<640x128xf32>, vector<128x128xf32>, vector<640x128xf32> -> vector<640x128xf32>
    %get3A_6 = arith.constant 0 : index
    %get3A_7 = arith.constant 0 : index
    %get3A_8 = vector.load %arg3[%get3A_6, %get3A_7] : memref<640x1xf32, #tpu.memory_space<vmem>>, vector<640x1xf32>
    %mul3A = vector.broadcast %get3A_8 : vector<640x1xf32> to vector<640x128xf32>
    %mul3A_9 = arith.mulf %dot_general3A_5, %mul3A : vector<640x128xf32>
    %swap3A = arith.constant 0 : index
    %swap3A_10 = arith.constant 0 : index
    %swap3A_11 = vector.load %arg4[%swap3A, %swap3A_10] : memref<640x128xf32, #tpu.memory_space<vmem>>, vector<640x128xf32>
    tpu.vector_store %arg4[%swap3A, %swap3A_10], %mul3A_9 {strides = array<i32>} : memref<640x128xf32, #tpu.memory_space<vmem>>, vector<640x128xf32>,
    return
  }
  func.func @transform_0(%arg0: i32) -> (i32, i32) {
    %c0_i32 = arith.constant 0 : i32
    %c0_i32_0 = arith.constant 0 : i32
    return %arg0, %c0_i32 : i32, i32
  }
  func.func @transform_1(%arg0: i32) -> (i32, i32) {
    %c0_i32 = arith.constant 0 : i32
    %c0_i32_0 = arith.constant 0 : i32
    %c0_i32_1 = arith.constant 0 : i32
    return %c0_i32, %c0_i32_0 : i32, i32
  }
  func.func @transform_2(%arg0: i32) -> (i32, i32) {
    %c0_i32 = arith.constant 0 : i32
    %c0_i32_0 = arith.constant 0 : i32
    return %arg0, %c0_i32 : i32, i32
  }
  func.func @transform_3(%arg0: i32) -> (i32, i32) {
    %c0_i32 = arith.constant 0 : i32
    %c0_i32_0 = arith.constant 0 : i32
    return %arg0, %c0_i32 : i32, i32
  }
}

module attributes {stable_mosaic.version = 14 : i64} {
  func.func @_comb_body(%arg0: i32, %arg1: memref<640x128xf32, #tpu.memory_space<vmem>>, %arg2: memref<640x128xf32, #tpu.memory_space<vmem>>, %arg3: memref<640x128xf32, #tpu.memory_space<vmem>>, %arg4: memref<640x1xf32, #tpu.memory_space<vmem>>, %arg5: memref<640x1xf32, #tpu.memory_space<vmem>>, %arg6: memref<1x128xf32, #tpu.memory_space<vmem>>, %arg7: memref<128x128xf32, #tpu.memory_space<vmem>>, %arg8: memref<1x128xf32, #tpu.memory_space<vmem>>, %arg9: memref<1x128xf32, #tpu.memory_space<vmem>>, %arg10: memref<1x128xf32, #tpu.memory_space<vmem>>) attributes {dimension_semantics = [#tpu.dimension_semantics<arbitrary>], iteration_bounds = array<i64: 16>, scalar_prefetch = 0 : i64, scratch_operands = 1 : i64, tpu.core_type = #tpu.core_type<tc>, window_params = [{transform_indices = @transform_0, window_bounds = array<i64: 640, 128>}, {transform_indices = @transform_1, window_bounds = array<i64: 640, 128>}, {transform_indices = @transform_2, window_bounds = array<i64: 640, 128>}, {transform_indices = @transform_3, window_bounds = array<i64: 640, 1>}, {transform_indices = @transform_4, window_bounds = array<i64: 640, 1>}, {pipeline_mode = #tpu.pipeline_mode<synchronous>, transform_indices = @transform_5, window_bounds = array<i64: 1, 128>}, {pipeline_mode = #tpu.pipeline_mode<synchronous>, transform_indices = @transform_6, window_bounds = array<i64: 128, 128>}, {pipeline_mode = #tpu.pipeline_mode<synchronous>, transform_indices = @transform_7, window_bounds = array<i64: 1, 128>}, {pipeline_mode = #tpu.pipeline_mode<synchronous>, transform_indices = @transform_8, window_bounds = array<i64: 1, 128>}]} {
    %eq3A = arith.constant 0 : i32
    %eq3A_0 = arith.cmpi eq, %arg0, %eq3A : i32
    %convert_element_type3A = arith.extui %eq3A_0 : i1 to i32
    %cond3A = arith.constant 0 : i32
    %cond3A_1 = arith.cmpi ne, %convert_element_type3A, %cond3A : i32
    scf.if %cond3A_1 {
      %broadcast_in_dim3A_39 = arith.constant 0.000000e+00 : f32
      %broadcast_in_dim3A_40 = vector.broadcast %broadcast_in_dim3A_39 : f32 to vector<1x128xf32>
      %swap3A_41 = arith.constant 0 : index
      %swap3A_42 = arith.constant 0 : index
      %swap3A_43 = vector.load %arg10[%swap3A_41, %swap3A_42] : memref<1x128xf32, #tpu.memory_space<vmem>>, vector<1x128xf32>
      tpu.vector_store %arg10[%swap3A_41, %swap3A_42], %broadcast_in_dim3A_40 {strides = array<i32>} : memref<1x128xf32, #tpu.memory_space<vmem>>, vector<1x128xf32>,
    } else {
    }
    %get3A = arith.constant 0 : index
    %get3A_2 = arith.constant 0 : index
    %get3A_3 = vector.load %arg1[%get3A, %get3A_2] : memref<640x128xf32, #tpu.memory_space<vmem>>, vector<640x128xf32>
    %get3A_4 = arith.constant 0 : index
    %get3A_5 = arith.constant 0 : index
    %get3A_6 = vector.load %arg2[%get3A_4, %get3A_5] : memref<640x128xf32, #tpu.memory_space<vmem>>, vector<640x128xf32>
    %add3A = arith.addf %get3A_3, %get3A_6 : vector<640x128xf32>
    %get3A_7 = arith.constant 0 : index
    %get3A_8 = arith.constant 0 : index
    %get3A_9 = vector.load %arg3[%get3A_7, %get3A_8] : memref<640x128xf32, #tpu.memory_space<vmem>>, vector<640x128xf32>
    %add3A_10 = arith.addf %add3A, %get3A_9 : vector<640x128xf32>
    %get3A_11 = arith.constant 0 : index
    %get3A_12 = arith.constant 0 : index
    %get3A_13 = vector.load %arg4[%get3A_11, %get3A_12] : memref<640x1xf32, #tpu.memory_space<vmem>>, vector<640x1xf32>
    %mul3A = vector.broadcast %get3A_13 : vector<640x1xf32> to vector<640x128xf32>
    %mul3A_14 = arith.mulf %mul3A, %add3A_10 : vector<640x128xf32>
    %get3A_15 = arith.constant 0 : index
    %get3A_16 = arith.constant 0 : index
    %get3A_17 = vector.load %arg6[%get3A_15, %get3A_16] : memref<1x128xf32, #tpu.memory_space<vmem>>, vector<1x128xf32>
    %add3A_18 = vector.broadcast %get3A_17 : vector<1x128xf32> to vector<640x128xf32>
    %add3A_19 = arith.addf %mul3A_14, %add3A_18 : vector<640x128xf32>
    %max3A = arith.constant 0.000000e+00 : f32
    %max3A_20 = vector.broadcast %max3A : f32 to vector<640x128xf32>
    %max3A_21 = arith.maximumf %add3A_19, %max3A_20 : vector<640x128xf32>
    %get3A_22 = arith.constant 0 : index
    %get3A_23 = arith.constant 0 : index
    %get3A_24 = vector.load %arg10[%get3A_22, %get3A_23] : memref<1x128xf32, #tpu.memory_space<vmem>>, vector<1x128xf32>
    %get3A_25 = arith.constant 0 : index
    %get3A_26 = arith.constant 0 : index
    %get3A_27 = vector.load %arg5[%get3A_25, %get3A_26] : memref<640x1xf32, #tpu.memory_space<vmem>>, vector<640x1xf32>
    %mul3A_28 = vector.broadcast %get3A_27 : vector<640x1xf32> to vector<640x128xf32>
    %mul3A_29 = arith.mulf %mul3A_28, %max3A_21 : vector<640x128xf32>
    %reduce_sum3A = arith.constant dense<0.000000e+00> : vector<128xf32>
    %reduce_sum3A_30 = vector.multi_reduction <add>, %mul3A_29, %reduce_sum3A [0] : vector<640x128xf32> to vector<128xf32>
    %broadcast_in_dim3A = vector.shape_cast %reduce_sum3A_30 : vector<128xf32> to vector<1x128xf32>
    %add3A_31 = arith.addf %get3A_24, %broadcast_in_dim3A : vector<1x128xf32>
    %swap3A = arith.constant 0 : index
    %swap3A_32 = arith.constant 0 : index
    %swap3A_33 = vector.load %arg10[%swap3A, %swap3A_32] : memref<1x128xf32, #tpu.memory_space<vmem>>, vector<1x128xf32>
    tpu.vector_store %arg10[%swap3A, %swap3A_32], %add3A_31 {strides = array<i32>} : memref<1x128xf32, #tpu.memory_space<vmem>>, vector<1x128xf32>,
    %eq3A_34 = arith.constant 15 : i32
    %eq3A_35 = arith.cmpi eq, %arg0, %eq3A_34 : i32
    %convert_element_type3A_36 = arith.extui %eq3A_35 : i1 to i32
    %cond3A_37 = arith.constant 0 : i32
    %cond3A_38 = arith.cmpi ne, %convert_element_type3A_36, %cond3A_37 : i32
    scf.if %cond3A_38 {
      %get3A_39 = arith.constant 0 : index
      %get3A_40 = arith.constant 0 : index
      %get3A_41 = vector.load %arg10[%get3A_39, %get3A_40] : memref<1x128xf32, #tpu.memory_space<vmem>>, vector<1x128xf32>
      %get3A_42 = arith.constant 0 : index
      %get3A_43 = arith.constant 0 : index
      %get3A_44 = vector.load %arg7[%get3A_42, %get3A_43] : memref<128x128xf32, #tpu.memory_space<vmem>>, vector<128x128xf32>
      %dot_general3A = arith.constant dense<0.000000e+00> : vector<1x128xf32>
      %dot_general3A_45 = tpu.matmul %get3A_41, %get3A_44, %dot_general3A {dimension_numbers = #tpu.dot_dimension_numbers<[1], [0], [0], [1], [0, 0, 1, 1], [], []>, transpose_lhs_hint = false} : vector<1x128xf32>, vector<128x128xf32>, vector<1x128xf32> -> vector<1x128xf32>
      %mul3A_46 = arith.constant 9.99999974E-5 : f32
      %mul3A_47 = vector.broadcast %mul3A_46 : f32 to vector<1x128xf32>
      %mul3A_48 = arith.mulf %dot_general3A_45, %mul3A_47 : vector<1x128xf32>
      %get3A_49 = arith.constant 0 : index
      %get3A_50 = arith.constant 0 : index
      %get3A_51 = vector.load %arg8[%get3A_49, %get3A_50] : memref<1x128xf32, #tpu.memory_space<vmem>>, vector<1x128xf32>
      %add3A_52 = arith.addf %mul3A_48, %get3A_51 : vector<1x128xf32>
      %swap3A_53 = arith.constant 0 : index
      %swap3A_54 = arith.constant 0 : index
      %swap3A_55 = vector.load %arg9[%swap3A_53, %swap3A_54] : memref<1x128xf32, #tpu.memory_space<vmem>>, vector<1x128xf32>
      tpu.vector_store %arg9[%swap3A_53, %swap3A_54], %add3A_52 {strides = array<i32>} : memref<1x128xf32, #tpu.memory_space<vmem>>, vector<1x128xf32>,
    } else {
    }
    return
  }
  func.func @transform_0(%arg0: i32) -> (i32, i32) {
    %c0_i32 = arith.constant 0 : i32
    %c0_i32_0 = arith.constant 0 : i32
    return %arg0, %c0_i32 : i32, i32
  }
  func.func @transform_1(%arg0: i32) -> (i32, i32) {
    %add3A = arith.constant 16 : i32
    %add3A_0 = arith.addi %arg0, %add3A : i32
    %c0_i32 = arith.constant 0 : i32
    %c0_i32_1 = arith.constant 0 : i32
    return %add3A_0, %c0_i32 : i32, i32
  }
  func.func @transform_2(%arg0: i32) -> (i32, i32) {
    %c0_i32 = arith.constant 0 : i32
    %c0_i32_0 = arith.constant 0 : i32
    return %arg0, %c0_i32 : i32, i32
  }
  func.func @transform_3(%arg0: i32) -> (i32, i32) {
    %c0_i32 = arith.constant 0 : i32
    %c0_i32_0 = arith.constant 0 : i32
    return %arg0, %c0_i32 : i32, i32
  }
  func.func @transform_4(%arg0: i32) -> (i32, i32) {
    %c0_i32 = arith.constant 0 : i32
    %c0_i32_0 = arith.constant 0 : i32
    return %arg0, %c0_i32 : i32, i32
  }
  func.func @transform_5(%arg0: i32) -> (i32, i32) {
    %c0_i32 = arith.constant 0 : i32
    %c0_i32_0 = arith.constant 0 : i32
    %c0_i32_1 = arith.constant 0 : i32
    return %c0_i32, %c0_i32_0 : i32, i32
  }
  func.func @transform_6(%arg0: i32) -> (i32, i32) {
    %c0_i32 = arith.constant 0 : i32
    %c0_i32_0 = arith.constant 0 : i32
    %c0_i32_1 = arith.constant 0 : i32
    return %c0_i32, %c0_i32_0 : i32, i32
  }
  func.func @transform_7(%arg0: i32) -> (i32, i32) {
    %c0_i32 = arith.constant 0 : i32
    %c0_i32_0 = arith.constant 0 : i32
    %c0_i32_1 = arith.constant 0 : i32
    return %c0_i32, %c0_i32_0 : i32, i32
  }
  func.func @transform_8(%arg0: i32) -> (i32, i32) {
    %c0_i32 = arith.constant 0 : i32
    %c0_i32_0 = arith.constant 0 : i32
    %c0_i32_1 = arith.constant 0 : i32
    return %c0_i32, %c0_i32_0 : i32, i32
  }
}

</mosaic_0001>

<sc_bundles>
// kernel: kernel.6.cloned.1.call-start
scs
__scs_entry_jumppad:
0x0: {  	(pc) =	sbr.rel $0x88, $3  }
0x1: {  	(tag) =	ssettag $0x0;
	lr =	simm.s32 $0x1  }
0x2: {  	[smem:$0x3F9B] =	sst lr;
	_ =	strace $0xD0000000  }
0x3: {  	_ = 	snop  }
0x4: {  	_ = 	snop  }
0x5: {  	_ = 	snop  }
0x6: {  	_ = 	snop  }
0x7: {  	_ = 	snop  }
__scs_overlays_trampoline_lowered:
0x8: {  	[smem:$0x3FAA] =	sst s0  }
0x9: {  	[smem:$0x3FAB] =	sst s1  }
0xa: {  	[smem:$0x3FAC] =	sst s2  }
0xb: {  	[smem:$0x3FAD] =	sst s3  }
0xc: {  	[smem:$0x3FAE] =	sst s4  }
0xd: {  	[smem:$0x3FAF] =	sst s5  }
0xe: {  	[smem:$0x3FB0] =	sst s6  }
0xf: {  	[smem:$0x3FB1] =	sst s7  }
0x10: {  	[smem:$0x3FB2] =	sst s8  }
0x11: {  	[smem:$0x3FB3] =	sst s9;
	s0 =	simm.s32 @!p0 $0x0  }
0x12: {  	s1 =	sld [smem:$0x3F99];
	s0 =	simm.s32 @p0 $0x1  }
0x13: {  	[smem:$0x3FB4] =	sst s0;
	s0 =	simm.s32 @!p1 $0x0  }
0x14: {  	s2 =	sld [smem:$0x3F98];
	s0 =	simm.s32 @p1 $0x1  }
0x15: {  	[smem:$0x3FB5] =	sst s0;
	s0 =	simm.s32 @!p2 $0x0  }
0x16: {  	s3 =	sld [smem:$0x3FDB];
	s0 =	simm.s32 @p2 $0x1  }
0x17: {  	s4 =	simm.s32 $0x1BF5;
	[smem:$0x3FB7] =	sst s0  }
0x18: {  	s0 =	sld [smem:$0x3F9A];
	_ =	swait.ge [sflag:s4], $0x0  }
0x19: {  	s7 =	sld [smem:$0x3F9B]  }
0x1a: {  	s8 =	sadd.s32 $0xFFFFE003, lr  }
0x1b: {  	s9 =	sadd.s32 $0xFFFFFEF7, lr;
	s5 =	simm.s32 $0xFFFFFFFF;
	p2 =	slt.u32 s8, $0xFFFFF086  }
0x1c: {  	p1 =	slt.u32 s9, $0xF7A;
	s5 =	simm.s32 @!p2 $0x0  }
0x1d: {  	s5 =	simm.s32 @p1 $0x1;
	p0 =	seq.s32 s7, s2  }
0x1e: {  	s7 =	smul.u32 @!p0 $0xF7A, s2;
	p2 =	seq.s32 @!p0 s5, $0x0  }
0x1f: {  	s9 =	smul.u32 $0xF7A, s1;
	s8 =	simm.s32 @!p0 $0x1BF5;
	p2 =	por !p2, p0  }
0x20: {  	[sflag:s8] =	ssyncset.s32 @!p0 $0xFFFFF086;
	s6 =	sadd.s32 @!p0 s3, s7;
	s7 =	simm.s32 @!p0 $0x108  }
0x21: {  	s3 =	sadd.s32 s3, s9;
	s6 =	sadd.s32 @!p0 $0x88, s6;
	s7 =	simm.s32 @p2 $0x1082  }
0x22: {  	[simem:s7], [sflag:s8] =	dma.local @!p0 [hbm:s6], $0xF7A  }
0x23: {  	s9 =	sor.u32 $0xD0000000, s2;
	s6 =	simm.s32 $0x108;
	_ =	swait.ge @!p0 [sflag:s8], $0x0  }
0x24: {  	s3 =	sadd.s32 $0x88, s3;
	s6 =	simm.s32 @!p1 $0x1082;
	[sflag:s4] =	ssyncset.s32 $0xFFFFF086  }
0x25: {  	[simem:s6], [sflag:s4] =	dma.local [hbm:s3], $0xF7A  }
0x26: {  	[smem:$0x3F9B] =	sst s1;
	(tag) =	ssettag s2;
	_ =	strace s9  }
0x27: {  	s1 =	sld [smem:$0x3FAB]  }
0x28: {  	s2 =	sld [smem:$0x3FAC]  }
0x29: {  	s4 =	sld [smem:$0x3FAE]  }
0x2a: {  	p0 =	seq.s32 s5, $0x0;
	s5 =	sld [smem:$0x3FAF]  }
0x2b: {  	s6 =	sld [smem:$0x3FB0]  }
0x2c: {  	s7 =	sld [smem:$0x3FB1]  }
0x2d: {  	s3 =	simm.s32 $0x108;
	s8 =	sld [smem:$0x3FB2]  }
0x2e: {  	s3 =	simm.s32 @!p0 $0x1082;
	s9 =	sld [smem:$0x3FB3]  }
0x2f: {  	lr =	sadd.s32 s0, s3;
	s0 =	sld [smem:$0x3FAA]  }
0x30: {  	s3 =	sld [smem:$0x3FAD]  }
0x31: {  	[smem:$0x3FB6] =	sst s10  }
0x32: {  	s10 =	sld [smem:$0x3FB4];
	_ =	sdelay $0x3  }
0x33: {  	p0 =	seq.s32 s10, $0x1;
	s10 =	sld [smem:$0x3FB6];
	_ =	sdelay $0x3  }
0x34: {  	[smem:$0x3FB6] =	sst s10  }
0x35: {  	s10 =	sld [smem:$0x3FB5];
	_ =	sdelay $0x3  }
0x36: {  	p1 =	seq.s32 s10, $0x1;
	s10 =	sld [smem:$0x3FB6];
	_ =	sdelay $0x3  }
0x37: {  	[smem:$0x3FB6] =	sst s10  }
0x38: {  	s10 =	sld [smem:$0x3FB7]  }
0x39: {  	_ = 	snop;
	(pc) =	sbr.ind lr, $3  }
0x3a: {  	_ = 	snop  }
0x3b: {  	_ = 	snop  }
0x3c: {  	p2 =	seq.s32 s10, $0x1;
	s10 =	sld [smem:$0x3FB6]  }
0x3d: {  	_ =	shalt  }
0x3e: {  	_ =	shalt  }
0x3f: {  	_ =	shalt  }
0x40: {  	_ =	shalt  }
0x41: {  	_ =	shalt  }
0x42: {  	_ =	shalt  }
0x43: {  	_ =	shalt  }
0x44: {  	_ =	shalt  }
0x45: {  	_ =	shalt  }
0x46: {  	_ =	shalt  }
0x47: {  	_ =	shalt  }
0x48: {  	_ =	shalt  }
0x49: {  	_ =	shalt  }
0x4a: {  	_ =	shalt  }
0x4b: {  	_ =	shalt  }
0x4c: {  	_ =	shalt  }
0x4d: {  	_ =	shalt  }
0x4e: {  	_ =	shalt  }
0x4f: {  	_ =	shalt  }
0x50: {  	_ =	shalt  }
0x51: {  	_ =	shalt  }
0x52: {  	_ =	shalt  }
0x53: {  	_ =	shalt  }
0x54: {  	_ =	shalt  }
0x55: {  	_ =	shalt  }
0x56: {  	_ =	shalt  }
0x57: {  	_ =	shalt  }
0x58: {  	_ =	shalt  }
0x59: {  	_ =	shalt  }
0x5a: {  	_ =	shalt  }
0x5b: {  	_ =	shalt  }
0x5c: {  	_ =	shalt  }
0x5d: {  	_ =	shalt  }
0x5e: {  	_ =	shalt  }
0x5f: {  	_ =	shalt  }
0x60: {  	_ =	shalt  }
0x61: {  	_ =	shalt  }
0x62: {  	_ =	shalt  }
0x63: {  	_ =	shalt  }
0x64: {  	_ =	shalt  }
0x65: {  	_ =	shalt  }
0x66: {  	_ =	shalt  }
0x67: {  	_ =	shalt  }
0x68: {  	_ =	shalt  }
0x69: {  	_ =	shalt  }
0x6a: {  	_ =	shalt  }
0x6b: {  	_ =	shalt  }
0x6c: {  	_ =	shalt  }
0x6d: {  	_ =	shalt  }
0x6e: {  	_ =	shalt  }
0x6f: {  	_ =	shalt  }
0x70: {  	_ =	shalt  }
0x71: {  	_ =	shalt  }
0x72: {  	_ =	shalt  }
0x73: {  	_ =	shalt  }
0x74: {  	_ =	shalt  }
0x75: {  	_ =	shalt  }
0x76: {  	_ =	shalt  }
0x77: {  	_ =	shalt  }
0x78: {  	_ =	shalt  }
0x79: {  	_ =	shalt  }
0x7a: {  	_ =	shalt  }
0x7b: {  	_ =	shalt  }
0x7c: {  	_ =	shalt  }
0x7d: {  	_ =	shalt  }
0x7e: {  	_ =	shalt  }
0x7f: {  	_ =	shalt  }
0x80: {  	_ =	shalt  }
0x81: {  	_ =	shalt  }
0x82: {  	_ =	shalt  }
0x83: {  	_ =	shalt  }
0x84: {  	_ =	shalt  }
0x85: {  	_ =	shalt  }
0x86: {  	_ =	shalt  }
0x87: {  	_ =	shalt  }
.Lfunc_end0:
.L_simem_size_0:
called_computation_lowered:
.L_overlay_start_0:
0x88: {  	s2 =	sld [smem:$0x3FD9]  }
0x89: {  	s3 =	sld [smem:$0x3FFE];
	_ =	sdelay $0x1  }
0x8a: {  	s1 =	srdreg.scid  }
0x8b: {  	s0 =	sand.u32 $0x1, s1  }
0x8c: {  	s16 =	sshll.u32 s0, $0xA;
	s2 =	sadd.s32 s3, s2  }
0x8d: {  	s2 =	sadd.s32 s2, s16  }
0x8e: {  	[smem:$0x3FC2] =	sst s2  }
0x8f: {  	_ = 	snop  }
0x90: {  	(tm) =	ssettm $0x1  }
0x91: {  	s17 =	sld [smem:$0x3FFB];
	_ =	sdelay $0x3  }
0x92: {  	_ =	strace s17  }
0x93: {  	s2 =	sld [smem:$0x3FFC];
	_ =	sdelay $0x3  }
0x94: {  	_ =	strace s2  }
0x95: {  	s2 =	sld [smem:$0x3FFD];
	_ =	sdelay $0x3  }
0x96: {  	_ =	strace s2  }
0x97: {  	_ =	strace $0x8FFFFFFF  }
0x98: {  	s18 =	sld [smem:$0x3FDB];
	_ =	sdelay $0x1  }
0x99: {  	s19 =	simm.s32 $_scs_section_size  }
0x9a: {  	s4 =	simm.s32 $_size__tile_overlayer_lowered;
	s5 =	simm.s32 $_tile_overlayer_lowered  }
0x9b: {  	s22 =	simm.s32 $0x1BFF;
	s21 =	sshll.u32 s5, $0x1;
	s2 =	sadd.s32 s19, s18  }
0x9c: {  	s6 =	simm.s32 $0x0;
	s20 =	sshll.u32 s4, $0x1;
	s4 =	sadd.s32 s21, s2  }
0x9d: {  	[timem:s6], [sflag:s22] =	dma.local [hbm:s4], s20  }
0x9e: {  	_ =	swait.ge [sflag:s22], s20  }
0x9f: {  	s3 =	ssub.s32 $0x0, s20;
	[sflag:s22] =	ssyncset.done $0x0  }
0xa0: {  	[sflag:s22] =	ssyncadd.s32 s3;
	_ =	sdelay $0x1  }
0xa1: {  	s23 =	simm.s32 $0x1B8B  }
0xa2: {  	_ =	swait.ge [sflag:s23], $0x1  }
0xa3: {  	[sflag:s23] =	ssyncset.done $0x0  }
0xa4: {  	s25 =	simm.s32 $0x1B8E;
	s24 =	sld [smem:$0x3FFE];
	[sflag:s23] =	ssyncadd.s32 $0xFFFFFFFF  }
0xa5: {  	s26 =	simm.s32 $execute0_lowered;
	[smem:$0x3FD2] =	sst s25  }
0xa6: {  	s4 =	sshll.u32 s26, $0x1;
	_ =	strace $0x80000046;
	[dreg:$0x1] =	wrdreg $0xFFFFFFFF  }
0xa7: {  	s28 =	simm.s32 $_size_execute0_lowered;
	s2 =	sadd.s32 s2, s4;
	[dreg:$0x0] =	wrdreg $0x0  }
0xa8: {  	s4 =	sshll.u32 s28, $0x1;
	[dreg:$0x2] =	wrdreg s2  }
0xa9: {  	[dreg:$0x3] =	wrdreg s4  }
0xaa: {  	[dreg:$0x4] =	wrdreg $0xC0  }
0xab: {  	_ =	task [dreg:s6], $0x5FFFF  }
0xac: {  	[dreg:$0x1] =	wrdreg $0xFFFFFFFF  }
0xad: {  	[dreg:$0x0] =	wrdreg $0x60  }
0xae: {  	[dreg:$0x2] =	wrdreg s24  }
0xaf: {  	[dreg:$0x3] =	wrdreg $0x28800  }
0xb0: {  	[dreg:$0x4] =	wrdreg $0x9  }
0xb1: {  	_ =	task.clear_ibuf [dreg:s6], $0x5FFFF;
	_ =	strace $0x90000046  }
0xb2: {  	s29 =	simm.s32 $0x9;
	_ =	strace $0x80000048  }
0xb3: {  	_ =	swait.ge [sflag:s29], $0x1  }
0xb4: {  	[sflag:s29] =	ssyncadd.s32 $0xFFFFFFFF  }
0xb5: {  	_ =	strace $0x90000048  }
0xb6: {  	_ =	sfence  }
0xb7: {  	s30 =	sld [smem:$0x0];
	_ =	sdelay $0x2  }
0xb8: {  	s31 =	sshll.u32 s1, $0xD;
	s1 =	sshrl.u32 s1, $0x2  }
0xb9: {  	s3 =	sand.u32 $0x4000, s31;
	s1 =	sadd.s32 s1, s30  }
0xba: {  	s0 =	sor.u32 s3, s0;
	s1 =	sshll.u32 s1, $0x11  }
0xbb: {  	s0 =	sor.u32 s1, s0  }
0xbc: {  	s0 =	sadd.s32 $0x8F2B, s0  }
0xbd: {  	[sflag:s0] =	ssyncadd.remote.s32 $0x1  }
0xbe: {  	_ =	sfence.sel $0xFFFF  }
0xbf: {  	[dreg:$0x0] =	wrdreg $0xFFFFFFFF;
	(pc) =	sbr.abs _section_cstart, $3  }
0xc0: {  	[dreg:$0x1] =	wrdreg $0xFFFFFFFF  }
0xc1: {  	_ =	task.clear_ibuf [dreg:s6], $0x2FFFF;
	_ =	strace $0x9FFFFFFF  }
0xc2: {  	(tm) =	ssettm $0x7FFFFFFF  }
0xc3: {  	_ =	shalt  }
tec
execute0_lowered:
.L_overlay_start_1:
0x0: {  	(tag) =	ssettag $0x1  }
0x1: {  	s6 =	rddreg [dreg:$0x0]  }
0x2: {  	s0 =	srdreg.scid;
	s2 =	rddreg [dreg:$0x1];
	s3 =	simm.s32 $0x0  }
0x3: {  	s13 =	simm.s32 $0xC8;
	s5 =	sand.u32 $0x1, s0;
	s0 =	stileid.u32  }
0x4: {  	s14 =	simm.s32 $0x1;
	s15 =	simm.s32 $0x0;
	s7 =	smul.u32 $0x280, s0  }
0x5: {  	[smem:$0x7FF] =	sst s3;
	s1 =	sshll.u32 s5, $0x4;
	s8 =	smul.u32 $0x2800, s5  }
0x6: {  	s5 =	ssub.s32 $0x2, s5;
	s31 =	sshll.u32 s0, $0x6;
	s1 =	sor.u32 s0, s1  }
0x7: {  	s11 =	sshrl.u32 s5, $0x1;
	s4 =	smul.u32 $0x4E2, s1;
	s1 =	rddreg [dreg:$0x2]  }
0x8: {  	_ =	strace $0x80000047;
	s10 =	sshrl.u32 s7, $0x3;
	s8 =	sadd.s32 s7, s8  }
0x9: {  	s11 =	ssub.s32 s5, s11;
	s12 =	sadd.s32 s7, s2;
	s10 =	sadd.s32 s10, s6  }
0xa: {  	s8 =	sshrl.u32 s8, $0x3;
	s12 =	sshrl.u32 s12, $0x3;
	s9 =	sadd.s32 s4, s6  }
0xb: {  	s4 =	sadd.s32 $0x15800, s6;
	s8 =	sadd.s32 s8, s6;
	s6 =	sadd.s32 $0x15A00, s10  }
0xc: {  	s10 =	simm.s32 $0x2;
	s5 =	sadd.s32 $0x1C00, s9;
	s7 =	sadd.s32 $0x16000, s8  }
0xd: {  	s8 =	smax.u32 s11, $0x1;
	s9 =	simm.s32 $0x2780;
	s11 =	sor.u32 $0x1C02, s31  }
.LBB2_1:
0xe: {  	[tilespmem:s9], [sflag:$0x2] =	stream.linear.gather [hbm4b:s4+s3], $0x100, $0x38;
	[tilespmem:$0x2B00] =	vst v63  }
0xf: {  	_ =	swait.ge [sflag:s10], $0x100  }
0x10: {  	[sflag:s10] =	ssyncset.done $0x0  }
0x11: {  	[sflag:s10] =	ssyncadd.s32 $0xFFFFFF00  }
0x12: {  	[tilespmem:s3], [sflag:$0x2] =	stream.linear.gather [hbm4b:s5+s3], $0x2710, $0x38;
	[tilespmem:$0x2B00] =	vst v63  }
0x13: {  	_ =	swait.ge [sflag:s10], $0x2710  }
0x14: {  	[sflag:s10] =	ssyncset.done $0x0  }
0x15: {  	[sflag:s10] =	ssyncadd.s32 $0xFFFFD8F0  }
0x16: {  	[spmem:s12], [sflag:s11] =	dma.local [hbm:s6], $0x50  }
0x17: {  	_ =	swait.ge [sflag:s10], $0x50  }
0x18: {  	[sflag:s10] =	ssyncset.done $0x0  }
0x19: {  	[sflag:s10] =	ssyncadd.s32 $0xFFFFFFB0  }
0x1a: {  	s16 =	simm.s32 $0x0;
	[bflag:$0x0] =	sbarrier.arrive $0xFFFF  }
.LBB2_2:
0x1b: {  	p0 =	sne.s32 s16, $0x9920  }
.Ltmp0:
0x1c: {  	_ = 	snop;
	(pc) =	sbr.rel @p0 .LBB2_2-.Ltmp0, $3  }
0x1d: {  	_ =	sdelay $0x1  }
0x1e: {  	s17 =	sshra.s32 s16, $0x2;
	s16 =	sadd.s32 $0x320, s16  }
0x1f: {  	[spmem:s2] =	stream.indirect.scatter.add.f32 [tilespmem:s9], [sflag:$0x1], $0x1, s17, s13, $0xb8;
	[tilespmem:$0x2B00] =	vst v63  }
0x20: {  	_ =	swait.ge [sflag:s14], $0xC8  }
0x21: {  	s16 =	simm.s32 $0x31;
	[sflag:s14] =	ssyncset.done $0x0  }
.LBB2_4:
0x22: {  	p0 =	sne.s32 s16, $0x1;
	s16 =	sadd.s32 $0xFFFFFFFF, s16;
	[sflag:s14] =	ssyncadd.s32 $0xFFFFFF38  }
.Ltmp1:
0x23: {  	(pc) =	sbr.rel @p0 .LBB2_4-.Ltmp1, $3  }
0x24: {  	_ =	sdelay $0x1  }
0x25: {  	_ =	swait.ge [sflag:s14], $0xC8  }
0x26: {  	[sflag:s14] =	ssyncset.done $0x0  }
0x27: {  	s15 =	sadd.s32 $0x1, s15  }
0x28: {  	[sflag:s14] =	ssyncadd.s32 $0xFFFFFF38;
	p0 =	sne.s32 s15, s8  }
.Ltmp2:
0x29: {  	[bflag:$0x0] =	sbarrier.arrive $0xFFFF;
	(pc) =	sbr.rel @p0 .LBB2_1-.Ltmp2, $4  }
0x2a: {  	[hbm:s7], [sflag:s11] =	dma.local [spmem:s12], $0x50  }
0x2b: {  	_ =	swait.ge [sflag:s10], $0x50  }
0x2c: {  	[sflag:s10] =	ssyncset.done $0x0  }
0x2d: {  	[sflag:s10] =	ssyncadd.s32 $0xFFFFFFB0  }
0x2e: {  	_ =	sfence.sel $0x180000  }
0x2f: {  	[bflag:$0x0] =	sbarrier.arrive $0xFFFF  }
0x30: {  	p0 =	sne.s32 s0, $0x0;
	_ =	strace $0x90000047  }
0x31: {  	s0 =	sadd.s32 @!p0 $0x100000, s1;
	[bflag:$0x2] =	sbarrier.arrive $0xFFFF  }
0x32: {  	[sflag:s0] =	ssyncadd.tile.s32 @!p0 $0x1;
	_ =	shalt  }
.Lfunc_end2:
_tile_overlayer_lowered:
.L_overlay_start_2:
0x33: {  	(tag) =	ssettag $0x2  }
0x34: {  	s0 =	rddreg [dreg:$0x0];
	s2 =	stileid.u32  }
0x35: {  	s1 =	rddreg [dreg:$0x1];
	p0 =	sne.s32 s2, $0x0  }
0x36: {  	s3 =	rddreg [dreg:$0x2];
	[bflag:$0x3] =	sbarrier.arrive $0xFFFF;
	s2 =	simm.s32 @!p0 $0x1C02  }
0x37: {  	[timem:s3], [sflag:s2] =	dma.local @!p0 [hbm:s0], s1  }
0x38: {  	s0 =	simm.s32 @!p0 $0x2  }
0x39: {  	_ =	swait.ge @!p0 [sflag:s0], s1  }
0x3a: {  	s1 =	ssub.s32 @!p0 $0x0, s1;
	[sflag:s0] =	ssyncset.done @!p0 $0x0  }
0x3b: {  	[sflag:s0] =	ssyncadd.s32 @!p0 s1  }
0x3c: {  	[bflag:$0x3] =	sbarrier.arrive $0xFFFF  }
0x3d: {  	_ =	shalt  }

// kernel: kernel.9.cloned.1.call-start
scs
__scs_entry_jumppad:
0x0: {  	(pc) =	sbr.rel $0x88, $3  }
0x1: {  	(tag) =	ssettag $0x0;
	lr =	simm.s32 $0x1  }
0x2: {  	[smem:$0x3F9B] =	sst lr;
	_ =	strace $0xD0000000  }
0x3: {  	_ = 	snop  }
0x4: {  	_ = 	snop  }
0x5: {  	_ = 	snop  }
0x6: {  	_ = 	snop  }
0x7: {  	_ = 	snop  }
__scs_overlays_trampoline_lowered:
0x8: {  	[smem:$0x3FAA] =	sst s0  }
0x9: {  	[smem:$0x3FAB] =	sst s1  }
0xa: {  	[smem:$0x3FAC] =	sst s2  }
0xb: {  	[smem:$0x3FAD] =	sst s3  }
0xc: {  	[smem:$0x3FAE] =	sst s4  }
0xd: {  	[smem:$0x3FAF] =	sst s5  }
0xe: {  	[smem:$0x3FB0] =	sst s6  }
0xf: {  	[smem:$0x3FB1] =	sst s7  }
0x10: {  	[smem:$0x3FB2] =	sst s8  }
0x11: {  	[smem:$0x3FB3] =	sst s9;
	s0 =	simm.s32 @!p0 $0x0  }
0x12: {  	s1 =	sld [smem:$0x3F99];
	s0 =	simm.s32 @p0 $0x1  }
0x13: {  	[smem:$0x3FB4] =	sst s0;
	s0 =	simm.s32 @!p1 $0x0  }
0x14: {  	s2 =	sld [smem:$0x3F98];
	s0 =	simm.s32 @p1 $0x1  }
0x15: {  	[smem:$0x3FB5] =	sst s0;
	s0 =	simm.s32 @!p2 $0x0  }
0x16: {  	s3 =	sld [smem:$0x3FDB];
	s0 =	simm.s32 @p2 $0x1  }
0x17: {  	s4 =	simm.s32 $0x1BF5;
	[smem:$0x3FB7] =	sst s0  }
0x18: {  	s0 =	sld [smem:$0x3F9A];
	_ =	swait.ge [sflag:s4], $0x0  }
0x19: {  	s7 =	sld [smem:$0x3F9B]  }
0x1a: {  	s8 =	sadd.s32 $0xFFFFE003, lr  }
0x1b: {  	s9 =	sadd.s32 $0xFFFFFEF7, lr;
	s5 =	simm.s32 $0xFFFFFFFF;
	p2 =	slt.u32 s8, $0xFFFFF086  }
0x1c: {  	p1 =	slt.u32 s9, $0xF7A;
	s5 =	simm.s32 @!p2 $0x0  }
0x1d: {  	s5 =	simm.s32 @p1 $0x1;
	p0 =	seq.s32 s7, s2  }
0x1e: {  	s7 =	smul.u32 @!p0 $0xF7A, s2;
	p2 =	seq.s32 @!p0 s5, $0x0  }
0x1f: {  	s9 =	smul.u32 $0xF7A, s1;
	s8 =	simm.s32 @!p0 $0x1BF5;
	p2 =	por !p2, p0  }
0x20: {  	[sflag:s8] =	ssyncset.s32 @!p0 $0xFFFFF086;
	s6 =	sadd.s32 @!p0 s3, s7;
	s7 =	simm.s32 @!p0 $0x108  }
0x21: {  	s3 =	sadd.s32 s3, s9;
	s6 =	sadd.s32 @!p0 $0x88, s6;
	s7 =	simm.s32 @p2 $0x1082  }
0x22: {  	[simem:s7], [sflag:s8] =	dma.local @!p0 [hbm:s6], $0xF7A  }
0x23: {  	s9 =	sor.u32 $0xD0000000, s2;
	s6 =	simm.s32 $0x108;
	_ =	swait.ge @!p0 [sflag:s8], $0x0  }
0x24: {  	s3 =	sadd.s32 $0x88, s3;
	s6 =	simm.s32 @!p1 $0x1082;
	[sflag:s4] =	ssyncset.s32 $0xFFFFF086  }
0x25: {  	[simem:s6], [sflag:s4] =	dma.local [hbm:s3], $0xF7A  }
0x26: {  	[smem:$0x3F9B] =	sst s1;
	(tag) =	ssettag s2;
	_ =	strace s9  }
0x27: {  	s1 =	sld [smem:$0x3FAB]  }
0x28: {  	s2 =	sld [smem:$0x3FAC]  }
0x29: {  	s4 =	sld [smem:$0x3FAE]  }
0x2a: {  	p0 =	seq.s32 s5, $0x0;
	s5 =	sld [smem:$0x3FAF]  }
0x2b: {  	s6 =	sld [smem:$0x3FB0]  }
0x2c: {  	s7 =	sld [smem:$0x3FB1]  }
0x2d: {  	s3 =	simm.s32 $0x108;
	s8 =	sld [smem:$0x3FB2]  }
0x2e: {  	s3 =	simm.s32 @!p0 $0x1082;
	s9 =	sld [smem:$0x3FB3]  }
0x2f: {  	lr =	sadd.s32 s0, s3;
	s0 =	sld [smem:$0x3FAA]  }
0x30: {  	s3 =	sld [smem:$0x3FAD]  }
0x31: {  	[smem:$0x3FB6] =	sst s10  }
0x32: {  	s10 =	sld [smem:$0x3FB4];
	_ =	sdelay $0x3  }
0x33: {  	p0 =	seq.s32 s10, $0x1;
	s10 =	sld [smem:$0x3FB6];
	_ =	sdelay $0x3  }
0x34: {  	[smem:$0x3FB6] =	sst s10  }
0x35: {  	s10 =	sld [smem:$0x3FB5];
	_ =	sdelay $0x3  }
0x36: {  	p1 =	seq.s32 s10, $0x1;
	s10 =	sld [smem:$0x3FB6];
	_ =	sdelay $0x3  }
0x37: {  	[smem:$0x3FB6] =	sst s10  }
0x38: {  	s10 =	sld [smem:$0x3FB7]  }
0x39: {  	_ = 	snop;
	(pc) =	sbr.ind lr, $3  }
0x3a: {  	_ = 	snop  }
0x3b: {  	_ = 	snop  }
0x3c: {  	p2 =	seq.s32 s10, $0x1;
	s10 =	sld [smem:$0x3FB6]  }
0x3d: {  	_ =	shalt  }
0x3e: {  	_ =	shalt  }
0x3f: {  	_ =	shalt  }
0x40: {  	_ =	shalt  }
0x41: {  	_ =	shalt  }
0x42: {  	_ =	shalt  }
0x43: {  	_ =	shalt  }
0x44: {  	_ =	shalt  }
0x45: {  	_ =	shalt  }
0x46: {  	_ =	shalt  }
0x47: {  	_ =	shalt  }
0x48: {  	_ =	shalt  }
0x49: {  	_ =	shalt  }
0x4a: {  	_ =	shalt  }
0x4b: {  	_ =	shalt  }
0x4c: {  	_ =	shalt  }
0x4d: {  	_ =	shalt  }
0x4e: {  	_ =	shalt  }
0x4f: {  	_ =	shalt  }
0x50: {  	_ =	shalt  }
0x51: {  	_ =	shalt  }
0x52: {  	_ =	shalt  }
0x53: {  	_ =	shalt  }
0x54: {  	_ =	shalt  }
0x55: {  	_ =	shalt  }
0x56: {  	_ =	shalt  }
0x57: {  	_ =	shalt  }
0x58: {  	_ =	shalt  }
0x59: {  	_ =	shalt  }
0x5a: {  	_ =	shalt  }
0x5b: {  	_ =	shalt  }
0x5c: {  	_ =	shalt  }
0x5d: {  	_ =	shalt  }
0x5e: {  	_ =	shalt  }
0x5f: {  	_ =	shalt  }
0x60: {  	_ =	shalt  }
0x61: {  	_ =	shalt  }
0x62: {  	_ =	shalt  }
0x63: {  	_ =	shalt  }
0x64: {  	_ =	shalt  }
0x65: {  	_ =	shalt  }
0x66: {  	_ =	shalt  }
0x67: {  	_ =	shalt  }
0x68: {  	_ =	shalt  }
0x69: {  	_ =	shalt  }
0x6a: {  	_ =	shalt  }
0x6b: {  	_ =	shalt  }
0x6c: {  	_ =	shalt  }
0x6d: {  	_ =	shalt  }
0x6e: {  	_ =	shalt  }
0x6f: {  	_ =	shalt  }
0x70: {  	_ =	shalt  }
0x71: {  	_ =	shalt  }
0x72: {  	_ =	shalt  }
0x73: {  	_ =	shalt  }
0x74: {  	_ =	shalt  }
0x75: {  	_ =	shalt  }
0x76: {  	_ =	shalt  }
0x77: {  	_ =	shalt  }
0x78: {  	_ =	shalt  }
0x79: {  	_ =	shalt  }
0x7a: {  	_ =	shalt  }
0x7b: {  	_ =	shalt  }
0x7c: {  	_ =	shalt  }
0x7d: {  	_ =	shalt  }
0x7e: {  	_ =	shalt  }
0x7f: {  	_ =	shalt  }
0x80: {  	_ =	shalt  }
0x81: {  	_ =	shalt  }
0x82: {  	_ =	shalt  }
0x83: {  	_ =	shalt  }
0x84: {  	_ =	shalt  }
0x85: {  	_ =	shalt  }
0x86: {  	_ =	shalt  }
0x87: {  	_ =	shalt  }
.Lfunc_end0:
.L_simem_size_0:
called_computation.1_lowered:
.L_overlay_start_0:
0x88: {  	s2 =	sld [smem:$0x3FD9]  }
0x89: {  	s3 =	sld [smem:$0x3FFE];
	_ =	sdelay $0x1  }
0x8a: {  	s1 =	srdreg.scid  }
0x8b: {  	s0 =	sand.u32 $0x1, s1  }
0x8c: {  	s16 =	sshll.u32 s0, $0xA;
	s2 =	sadd.s32 s3, s2  }
0x8d: {  	s2 =	sadd.s32 s2, s16  }
0x8e: {  	[smem:$0x3FC2] =	sst s2  }
0x8f: {  	_ = 	snop  }
0x90: {  	(tm) =	ssettm $0x1  }
0x91: {  	s17 =	sld [smem:$0x3FFB];
	_ =	sdelay $0x3  }
0x92: {  	_ =	strace s17  }
0x93: {  	s2 =	sld [smem:$0x3FFC];
	_ =	sdelay $0x3  }
0x94: {  	_ =	strace s2  }
0x95: {  	s2 =	sld [smem:$0x3FFD];
	_ =	sdelay $0x3  }
0x96: {  	_ =	strace s2  }
0x97: {  	_ =	strace $0x8FFFFFFF  }
0x98: {  	s18 =	sld [smem:$0x3FDB];
	_ =	sdelay $0x1  }
0x99: {  	s19 =	simm.s32 $_scs_section_size  }
0x9a: {  	s4 =	simm.s32 $_size__tile_overlayer_lowered;
	s5 =	simm.s32 $_tile_overlayer_lowered  }
0x9b: {  	s22 =	simm.s32 $0x1BFF;
	s21 =	sshll.u32 s5, $0x1;
	s2 =	sadd.s32 s19, s18  }
0x9c: {  	s6 =	simm.s32 $0x0;
	s20 =	sshll.u32 s4, $0x1;
	s4 =	sadd.s32 s21, s2  }
0x9d: {  	[timem:s6], [sflag:s22] =	dma.local [hbm:s4], s20  }
0x9e: {  	_ =	swait.ge [sflag:s22], s20  }
0x9f: {  	s3 =	ssub.s32 $0x0, s20;
	[sflag:s22] =	ssyncset.done $0x0  }
0xa0: {  	[sflag:s22] =	ssyncadd.s32 s3;
	_ =	sdelay $0x1  }
0xa1: {  	s23 =	simm.s32 $0x1B8B  }
0xa2: {  	_ =	swait.ge [sflag:s23], $0x1  }
0xa3: {  	[sflag:s23] =	ssyncset.done $0x0  }
0xa4: {  	s25 =	simm.s32 $0x1B8E;
	s24 =	sld [smem:$0x3FFE];
	[sflag:s23] =	ssyncadd.s32 $0xFFFFFFFF  }
0xa5: {  	s26 =	simm.s32 $execute0_lowered;
	[smem:$0x3FD2] =	sst s25  }
0xa6: {  	s4 =	sshll.u32 s26, $0x1;
	_ =	strace $0x80000049;
	[dreg:$0x1] =	wrdreg $0xFFFFFFFF  }
0xa7: {  	s28 =	simm.s32 $_size_execute0_lowered;
	s2 =	sadd.s32 s2, s4;
	[dreg:$0x0] =	wrdreg $0x0  }
0xa8: {  	s4 =	sshll.u32 s28, $0x1;
	[dreg:$0x2] =	wrdreg s2  }
0xa9: {  	[dreg:$0x3] =	wrdreg s4  }
0xaa: {  	[dreg:$0x4] =	wrdreg $0xC0  }
0xab: {  	_ =	task [dreg:s6], $0x5FFFF  }
0xac: {  	[dreg:$0x1] =	wrdreg $0xFFFFFFFF  }
0xad: {  	[dreg:$0x0] =	wrdreg $0x60  }
0xae: {  	[dreg:$0x2] =	wrdreg s24  }
0xaf: {  	[dreg:$0x3] =	wrdreg $0xAA000  }
0xb0: {  	[dreg:$0x4] =	wrdreg $0x1EA000  }
0xb1: {  	[dreg:$0x5] =	wrdreg $0x9  }
0xb2: {  	_ =	task.clear_ibuf [dreg:s6], $0x6FFFF;
	_ =	strace $0x90000049  }
0xb3: {  	s29 =	simm.s32 $0x9;
	_ =	strace $0x8000004B  }
0xb4: {  	_ =	swait.ge [sflag:s29], $0x1  }
0xb5: {  	[sflag:s29] =	ssyncadd.s32 $0xFFFFFFFF  }
0xb6: {  	_ =	strace $0x9000004B  }
0xb7: {  	_ =	sfence  }
0xb8: {  	s30 =	sld [smem:$0x0];
	_ =	sdelay $0x2  }
0xb9: {  	s31 =	sshll.u32 s1, $0xD;
	s1 =	sshrl.u32 s1, $0x2  }
0xba: {  	s3 =	sand.u32 $0x4000, s31;
	s1 =	sadd.s32 s1, s30  }
0xbb: {  	s0 =	sor.u32 s3, s0;
	s1 =	sshll.u32 s1, $0x11  }
0xbc: {  	s0 =	sor.u32 s1, s0  }
0xbd: {  	s0 =	sadd.s32 $0x8F2B, s0  }
0xbe: {  	[sflag:s0] =	ssyncadd.remote.s32 $0x1  }
0xbf: {  	_ =	sfence.sel $0xFFFF  }
0xc0: {  	[dreg:$0x0] =	wrdreg $0xFFFFFFFF;
	(pc) =	sbr.abs _section_cstart, $3  }
0xc1: {  	[dreg:$0x1] =	wrdreg $0xFFFFFFFF  }
0xc2: {  	_ =	task.clear_ibuf [dreg:s6], $0x2FFFF;
	_ =	strace $0x9FFFFFFF  }
0xc3: {  	(tm) =	ssettm $0x7FFFFFFF  }
tec
execute0_lowered:
.L_overlay_start_1:
0x0: {  	(tag) =	ssettag $0x1  }
0x1: {  	s0 =	rddreg [dreg:$0x0]  }
0x2: {  	s1 =	rddreg [dreg:$0x1]  }
0x3: {  	s2 =	rddreg [dreg:$0x2];
	s4 =	simm.s32 $0x0  }
0x4: {  	s15 =	stileid.u32;
	s5 =	srdreg.scid;
	s28 =	simm.s32 $0xA  }
0x5: {  	s29 =	simm.s32 $0xC;
	s30 =	simm.s32 $0x4;
	[smem:$0x7FF] =	sst s4  }
0x6: {  	s16 =	sadd.s32 $0xBA00, s0;
	s3 =	smul.u32 $0x2800, s15;
	s17 =	sadd.s32 $0x1C00, s0  }
0x7: {  	s6 =	smul.u32 $0x280, s15;
	s5 =	sand.u32 $0x1, s5;
	s7 =	sadd.s32 $0x17000, s0  }
0x8: {  	s8 =	sadd.s32 $0x16A00, s0;
	s22 =	smul.u32 $0x50000, s15;
	_ =	strace $0x8000004A  }
0x9: {  	s9 =	smul.u32 $0x2800, s5;
	s11 =	sshll.u32 s5, $0x4;
	[dreg:$0x5] =	wrdreg s17  }
0xa: {  	s13 =	ssub.s32 $0x2, s5;
	s5 =	smul.u32 $0x27100, s5;
	[dreg:$0x4] =	wrdreg s16  }
0xb: {  	s3 =	sadd.s32 s3, s0;
	s10 =	sshrl.u32 s6, $0x3;
	s11 =	sor.u32 s15, s11  }
0xc: {  	s14 =	sshrl.u32 s13, $0x1;
	s15 =	smul.u32 $0x2710, s15;
	s10 =	sadd.s32 s10, s0  }
0xd: {  	s9 =	sadd.s32 s6, s9;
	s11 =	smul.u32 $0x2710, s11;
	s3 =	sadd.s32 $0x3F000, s3  }
0xe: {  	s6 =	sadd.s32 s6, s2;
	s12 =	sshll.u32 s9, $0x4;
	[dreg:$0xf] =	wrdreg s3  }
0xf: {  	s9 =	sshrl.u32 s9, $0x3;
	s5 =	sadd.s32 s15, s5;
	[dreg:$0x10] =	wrdreg s6  }
0x10: {  	s10 =	sadd.s32 $0x15A00, s10;
	s6 =	simm.s32 $0x6;
	s12 =	sadd.s32 s12, s0  }
0x11: {  	s0 =	sadd.s32 s9, s0;
	s9 =	ssub.s32 s13, s14;
	s11 =	sshrl.u32 s11, $0x3  }
0x12: {  	s14 =	sshrl.u32 s22, $0x2;
	[dreg:$0x11] =	wrdreg s10;
	s20 =	sadd.s32 s16, s11  }
0x13: {  	s15 =	sadd.s32 $0x460, s5;
	s18 =	sadd.s32 s17, s11;
	[dreg:$0x6] =	wrdreg s20  }
0x14: {  	s22 =	sadd.s32 $0x3C0, s5;
	s1 =	sadd.s32 s14, s1;
	[dreg:$0x7] =	wrdreg s18  }
0x15: {  	s21 =	sadd.s32 $0x14, s11;
	s0 =	sadd.s32 $0x67000, s0;
	[dreg:$0xe] =	wrdreg s1  }
0x16: {  	s10 =	simm.s32 $0x100;
	s23 =	sadd.s32 s16, s21;
	[dreg:$0x15] =	wrdreg s0  }
0x17: {  	s24 =	sadd.s32 $0x28, s11;
	s13 =	sadd.s32 s17, s21;
	[dreg:$0x8] =	wrdreg s23  }
0x18: {  	s26 =	sadd.s32 $0x3C, s11;
	s25 =	sadd.s32 s16, s24;
	[dreg:$0x9] =	wrdreg s13  }
0x19: {  	s19 =	sshrl.u32 s15, $0x3;
	s31 =	sadd.s32 s16, s26;
	[dreg:$0xa] =	wrdreg s25  }
0x1a: {  	s15 =	simm.s32 $0x400;
	s18 =	sadd.s32 $0x67A00, s12;
	[dreg:$0xc] =	wrdreg s31  }
0x1b: {  	s20 =	smax.u32 s9, $0x1;
	s21 =	sadd.s32 s19, s17;
	[dreg:$0x14] =	wrdreg s18  }
0x1c: {  	s0 =	sadd.s32 s19, s16;
	s9 =	simm.s32 $0x500;
	[dreg:$0x16] =	wrdreg s20  }
0x1d: {  	s12 =	simm.s32 $0x600;
	s19 =	simm.s32 $0xA800;
	[dreg:$0x17] =	wrdreg s21  }
0x1e: {  	s1 =	simm.s32 $0x0;
	s13 =	sadd.s32 s17, s24;
	[dreg:$0x18] =	wrdreg s0  }
0x1f: {  	s23 =	sshrl.u32 s22, $0x3;
	s24 =	sadd.s32 $0x320, s5;
	s31 =	sadd.s32 $0x280, s5  }
0x20: {  	s18 =	simm.s32 $0x800;
	s20 =	simm.s32 $0x2;
	s21 =	simm.s32 $0x5800  }
0x21: {  	s22 =	simm.s32 $0xA900;
	s5 =	simm.s32 $0x3;
	[dreg:$0xb] =	wrdreg s13  }
0x22: {  	s13 =	sadd.s32 s17, s26;
	s25 =	sadd.s32 s23, s17;
	[dreg:$0x1d] =	wrdreg s31  }
0x23: {  	s0 =	sadd.s32 s23, s16;
	s26 =	sshrl.u32 s24, $0x3;
	[dreg:$0xd] =	wrdreg s13  }
0x24: {  	s24 =	simm.s32 $0x5;
	s23 =	simm.s32 $0xB;
	[dreg:$0x19] =	wrdreg s25  }
0x25: {  	s13 =	sadd.s32 $0x4D8, s11;
	[dreg:$0x1a] =	wrdreg s0;
	s0 =	sadd.s32 s26, s16  }
.Ltmp0:
0x26: {  	s14 =	sadd.s32 s16, s13;
	[dreg:$0x1c] =	wrdreg s0;
	(pc) =	sbr.rel .LBB2_1-.Ltmp0, $4  }
0x27: {  	s25 =	simm.s32 $0x7;
	s3 =	sadd.s32 s17, s13;
	[dreg:$0x12] =	wrdreg s14  }
0x28: {  	s13 =	simm.s32 $0x300;
	s16 =	simm.s32 $0xD;
	[dreg:$0x13] =	wrdreg s3  }
0x29: {  	s3 =	sadd.s32 s26, s17;
	s14 =	simm.s32 $0x200;
	s17 =	simm.s32 $0xA0  }
0x2a: {  	s26 =	simm.s32 $0x8;
	[dreg:$0x1b] =	wrdreg s3;
	s3 =	simm.s32 $0x9  }
.LBB2_4:
0x2b: {  	_ =	swait.ge [sflag:s24], $0x5000  }
0x2c: {  	[sflag:s24] =	ssyncset.done $0x0  }
0x2d: {  	[sflag:s24] =	ssyncadd.s32 $0xFFFFB000  }
0x2e: {  	_ =	swait.ge [sflag:s25], $0xA0  }
0x2f: {  	[sflag:s25] =	ssyncset.done $0x0  }
0x30: {  	[sflag:s25] =	ssyncadd.s32 $0xFFFFFF60  }
0x31: {  	s18 =	simm.s32 $0x800;
	s1 =	rddreg [dreg:$0x1]  }
0x32: {  	[spmem:s1] =	stream.indirect.scatter.add.f32 [tilespmem:s18], [sflag:$0x9], $0x80, s15, s17, $0xb8;
	[tilespmem:$0x1EC80] =	vst v63  }
0x33: {  	s19 =	simm.s32 $0xA800;
	s2 =	rddreg [dreg:$0x2]  }
0x34: {  	[spmem:s2] =	stream.indirect.scatter.add.f32 [tilespmem:s19], [sflag:$0xB], $0x1, s4, s17, $0xb8;
	[tilespmem:$0x1EC80] =	vst v63  }
0x35: {  	_ =	swait.ge [sflag:s6], $0x5000  }
0x36: {  	[sflag:s6] =	ssyncset.done $0x0  }
0x37: {  	[sflag:s6] =	ssyncadd.s32 $0xFFFFB000  }
0x38: {  	_ =	swait.ge [sflag:s26], $0xA0  }
0x39: {  	[sflag:s26] =	ssyncset.done $0x0  }
0x3a: {  	s9 =	simm.s32 $0x500;
	s21 =	simm.s32 $0x5800;
	[sflag:s26] =	ssyncadd.s32 $0xFFFFFF60  }
0x3b: {  	[spmem:s1] =	stream.indirect.scatter.add.f32 [tilespmem:s21], [sflag:$0xA], $0x80, s9, s17, $0xb8;
	[tilespmem:$0x1EC80] =	vst v63  }
0x3c: {  	s22 =	simm.s32 $0xA900  }
0x3d: {  	[spmem:s2] =	stream.indirect.scatter.add.f32 [tilespmem:s22], [sflag:$0xC], $0x1, s10, s17, $0xb8;
	[tilespmem:$0x1EC80] =	vst v63  }
0x3e: {  	s14 =	simm.s32 $0x200;
	s16 =	simm.s32 $0xD;
	s0 =	rddreg [dreg:$0x12]  }
0x3f: {  	[tilespmem:s14], [sflag:$0xD] =	stream.linear.gather [hbm4b:s0+s4], $0x50, $0x38;
	[tilespmem:$0x1EC80] =	vst v63  }
0x40: {  	_ =	swait.ge [sflag:s16], $0x50  }
0x41: {  	[sflag:s16] =	ssyncset.done $0x0  }
0x42: {  	s12 =	simm.s32 $0x600;
	s11 =	rddreg [dreg:$0x13];
	[sflag:s16] =	ssyncadd.s32 $0xFFFFFFB0  }
0x43: {  	[tilespmem:s12], [sflag:$0xD] =	stream.linear.gather [hbm4b:s11+s4], $0x50, $0x38;
	[tilespmem:$0x1EC80] =	vst v63  }
0x44: {  	_ =	swait.ge [sflag:s16], $0x50  }
0x45: {  	[sflag:s16] =	ssyncset.done $0x0  }
0x46: {  	[sflag:s16] =	ssyncadd.s32 $0xFFFFFFB0  }
0x47: {  	_ =	swait.ge [sflag:s3], $0x5000  }
0x48: {  	[sflag:s3] =	ssyncset.done $0x0  }
0x49: {  	[sflag:s3] =	ssyncadd.s32 $0xFFFFB000  }
0x4a: {  	_ =	swait.ge [sflag:s23], $0xA0  }
0x4b: {  	[sflag:s23] =	ssyncset.done $0x0  }
0x4c: {  	s31 =	simm.s32 $0x50;
	[sflag:s23] =	ssyncadd.s32 $0xFFFFFF60  }
0x4d: {  	[tilespmem:s18], [sflag:$0x5] =	stream.indirect.gather [hbm4b:s7+s31], $0x80, s14, s31, $0xb8;
	[tilespmem:$0x1EC80] =	vst v63  }
0x4e: {  	_ =	swait.ge [sflag:s24], $0x2800  }
0x4f: {  	[sflag:s24] =	ssyncset.done $0x0  }
0x50: {  	[sflag:s24] =	ssyncadd.s32 $0xFFFFD800  }
0x51: {  	[tilespmem:s19], [sflag:$0x7] =	stream.indirect.gather [hbm4b:s8+s31], $0x1, s12, s31, $0xb8;
	[tilespmem:$0x1EC80] =	vst v63  }
0x52: {  	_ =	swait.ge [sflag:s25], $0x50  }
0x53: {  	[sflag:s25] =	ssyncset.done $0x0  }
0x54: {  	[sflag:s25] =	ssyncadd.s32 $0xFFFFFFB0  }
0x55: {  	[spmem:s1] =	stream.indirect.scatter.add.f32 [tilespmem:s18], [sflag:$0xD], $0x80, s12, s31, $0xb8;
	[tilespmem:$0x1EC80] =	vst v63  }
0x56: {  	_ =	swait.ge [sflag:s16], $0x2800  }
0x57: {  	[sflag:s16] =	ssyncset.done $0x0  }
0x58: {  	[sflag:s16] =	ssyncadd.s32 $0xFFFFD800  }
0x59: {  	[spmem:s2] =	stream.indirect.scatter.add.f32 [tilespmem:s19], [sflag:$0xD], $0x1, s14, s31, $0xb8;
	[tilespmem:$0x1EC80] =	vst v63  }
0x5a: {  	_ =	swait.ge [sflag:s16], $0x50  }
0x5b: {  	[sflag:s16] =	ssyncset.done $0x0  }
0x5c: {  	[sflag:s16] =	ssyncadd.s32 $0xFFFFFFB0  }
0x5d: {  	_ =	swait.ge [sflag:s28], $0x5000  }
0x5e: {  	[sflag:s28] =	ssyncset.done $0x0  }
0x5f: {  	[sflag:s28] =	ssyncadd.s32 $0xFFFFB000  }
0x60: {  	_ =	swait.ge [sflag:s29], $0xA0  }
0x61: {  	[sflag:s29] =	ssyncset.done $0x0  }
0x62: {  	[sflag:s29] =	ssyncadd.s32 $0xFFFFFF60  }
0x63: {  	[bflag:$0x0] =	sbarrier.arrive $0xFFFF  }
0x64: {  	s31 =	sld [smem:$0x7FC]  }
0x65: {  	s11 =	rddreg [dreg:$0x14]  }
0x66: {  	s1 =	rddreg [dreg:$0x1f]  }
0x67: {  	[hbm:s11], [sflag:s1] =	dma.local [spmem:s31], $0x2800  }
0x68: {  	_ =	swait.ge [sflag:s16], $0x2800  }
0x69: {  	s31 =	sld [smem:$0x7FD]  }
0x6a: {  	[sflag:s16] =	ssyncset.done $0x0  }
0x6b: {  	s11 =	rddreg [dreg:$0x15];
	[sflag:s16] =	ssyncadd.s32 $0xFFFFD800  }
0x6c: {  	[hbm:s11], [sflag:s1] =	dma.local [spmem:s31], $0x50  }
0x6d: {  	_ =	swait.ge [sflag:s16], $0x50  }
0x6e: {  	s11 =	rddreg [dreg:$0x1e]  }
0x6f: {  	s31 =	rddreg [dreg:$0x16];
	s1 =	sadd.s32 $0x1, s11  }
0x70: {  	p0 =	sne.s32 s1, s31  }
.Ltmp1:
0x71: {  	_ = 	snop;
	(pc) =	sbr.rel @!p0 .LBB2_5-.Ltmp1, $3  }
0x72: {  	_ =	sdelay $0x1  }
0x73: {  	[sflag:s16] =	ssyncset.done $0x0  }
0x74: {  	[sflag:s16] =	ssyncadd.s32 $0xFFFFFFB0  }
.LBB2_1:
0x75: {  	[dreg:$0x1e] =	wrdreg s1  }
0x76: {  	s0 =	rddreg [dreg:$0x6]  }
0x77: {  	[tilespmem:s4], [sflag:$0x1] =	stream.linear.gather [hbm4b:s0+s4], $0xA0, $0x38;
	[tilespmem:$0x1EC80] =	vst v63  }
0x78: {  	s2 =	rddreg [dreg:$0x7]  }
0x79: {  	[tilespmem:s15], [sflag:$0x1] =	stream.linear.gather [hbm4b:s2+s4], $0xA0, $0x38;
	[tilespmem:$0x1EC80] =	vst v63  }
0x7a: {  	s11 =	rddreg [dreg:$0x8]  }
0x7b: {  	[tilespmem:s10], [sflag:$0x2] =	stream.linear.gather [hbm4b:s11+s4], $0xA0, $0x38;
	[tilespmem:$0x1EC80] =	vst v63  }
0x7c: {  	s1 =	rddreg [dreg:$0x9]  }
0x7d: {  	[tilespmem:s9], [sflag:$0x2] =	stream.linear.gather [hbm4b:s1+s4], $0xA0, $0x38;
	[tilespmem:$0x1EC80] =	vst v63  }
0x7e: {  	s2 =	rddreg [dreg:$0xa]  }
0x7f: {  	[tilespmem:s14], [sflag:$0x3] =	stream.linear.gather [hbm4b:s2+s4], $0xA0, $0x38;
	[tilespmem:$0x1EC80] =	vst v63  }
0x80: {  	s11 =	rddreg [dreg:$0xb]  }
0x81: {  	[tilespmem:s12], [sflag:$0x3] =	stream.linear.gather [hbm4b:s11+s4], $0xA0, $0x38;
	[tilespmem:$0x1EC80] =	vst v63  }
0x82: {  	s12 =	rddreg [dreg:$0xc]  }
0x83: {  	[tilespmem:s13], [sflag:$0x4] =	stream.linear.gather [hbm4b:s12+s4], $0xA0, $0x38;
	[tilespmem:$0x1EC80] =	vst v63  }
0x84: {  	s1 =	rddreg [dreg:$0xd];
	s2 =	simm.s32 $0x1;
	s11 =	simm.s32 $0x700  }
0x85: {  	[tilespmem:s11], [sflag:$0x4] =	stream.linear.gather [hbm4b:s1+s4], $0xA0, $0x38;
	[tilespmem:$0x1EC80] =	vst v63  }
0x86: {  	_ =	swait.ge [sflag:s2], $0xA0  }
0x87: {  	[sflag:s2] =	ssyncset.done $0x0  }
0x88: {  	[sflag:s2] =	ssyncadd.s32 $0xFFFFFF60  }
0x89: {  	_ =	swait.ge [sflag:s2], $0xA0  }
0x8a: {  	[sflag:s2] =	ssyncset.done $0x0  }
0x8b: {  	[sflag:s2] =	ssyncadd.s32 $0xFFFFFF60  }
0x8c: {  	[tilespmem:s18], [sflag:$0x5] =	stream.indirect.gather [hbm4b:s7+s17], $0x80, s4, s17, $0xb8;
	[tilespmem:$0x1EC80] =	vst v63  }
0x8d: {  	_ = 	snop  }
0x8e: {  	[tilespmem:s19], [sflag:$0x7] =	stream.indirect.gather [hbm4b:s8+s17], $0x1, s15, s17, $0xb8;
	[tilespmem:$0x1EC80] =	vst v63  }
0x8f: {  	_ =	swait.ge [sflag:s20], $0xA0  }
0x90: {  	[sflag:s20] =	ssyncset.done $0x0  }
0x91: {  	[sflag:s20] =	ssyncadd.s32 $0xFFFFFF60  }
0x92: {  	_ =	swait.ge [sflag:s20], $0xA0  }
0x93: {  	[sflag:s20] =	ssyncset.done $0x0  }
0x94: {  	[sflag:s20] =	ssyncadd.s32 $0xFFFFFF60  }
0x95: {  	[tilespmem:s21], [sflag:$0x6] =	stream.indirect.gather [hbm4b:s7+s17], $0x80, s10, s17, $0xb8;
	[tilespmem:$0x1EC80] =	vst v63  }
0x96: {  	s13 =	rddreg [dreg:$0xe];
	s10 =	stileid.u32  }
0x97: {  	s18 =	rddreg [dreg:$0xf];
	s2 =	sshrl.u32 s13, $0x3;
	s0 =	sshll.u32 s10, $0x6  }
0x98: {  	[tilespmem:s22], [sflag:$0x8] =	stream.indirect.gather [hbm4b:s8+s17], $0x1, s9, s17, $0xb8;
	[tilespmem:$0x1EC80] =	vst v63  }
0x99: {  	[smem:$0x7FC] =	sst s2;
	s12 =	sor.u32 $0x1C0D, s0  }
0x9a: {  	[spmem:s2], [sflag:s12] =	dma.local [hbm:s18], $0x2800  }
0x9b: {  	_ =	swait.ge [sflag:s16], $0x2800;
	[dreg:$0x1f] =	wrdreg s12  }
0x9c: {  	s19 =	rddreg [dreg:$0x10]  }
0x9d: {  	[sflag:s16] =	ssyncset.done $0x0;
	s22 =	rddreg [dreg:$0x11];
	s21 =	sshrl.u32 s19, $0x3  }
0x9e: {  	[sflag:s16] =	ssyncadd.s32 $0xFFFFD800;
	[smem:$0x7FD] =	sst s21  }
0x9f: {  	[spmem:s21], [sflag:s12] =	dma.local [hbm:s22], $0x50  }
0xa0: {  	_ =	swait.ge [sflag:s16], $0x50  }
0xa1: {  	[sflag:s16] =	ssyncset.done $0x0  }
0xa2: {  	[sflag:s16] =	ssyncadd.s32 $0xFFFFFFB0  }
0xa3: {  	[bflag:$0x0] =	sbarrier.arrive $0xFFFF  }
0xa4: {  	s0 =	simm.s32 $0x0;
	s9 =	simm.s32 $0x300;
	s31 =	rddreg [dreg:$0x1d]  }
.LBB2_2:
0xa5: {  	_ =	swait.ge [sflag:s24], $0x5000  }
0xa6: {  	[sflag:s24] =	ssyncset.done $0x0  }
0xa7: {  	[sflag:s24] =	ssyncadd.s32 $0xFFFFB000  }
0xa8: {  	_ =	swait.ge [sflag:s25], $0xA0  }
0xa9: {  	[sflag:s25] =	ssyncset.done $0x0  }
0xaa: {  	[sflag:s25] =	ssyncadd.s32 $0xFFFFFF60  }
0xab: {  	s19 =	simm.s32 $0x800;
	s2 =	rddreg [dreg:$0x1]  }
0xac: {  	[spmem:s2] =	stream.indirect.scatter.add.f32 [tilespmem:s19], [sflag:$0x9], $0x80, s15, s17, $0xb8;
	[tilespmem:$0x1EC80] =	vst v63  }
0xad: {  	s16 =	simm.s32 $0xA800;
	s21 =	rddreg [dreg:$0x2]  }
0xae: {  	[spmem:s21] =	stream.indirect.scatter.add.f32 [tilespmem:s16], [sflag:$0xB], $0x1, s4, s17, $0xb8;
	[tilespmem:$0x1EC80] =	vst v63  }
0xaf: {  	_ =	swait.ge [sflag:s3], $0x5000  }
0xb0: {  	[sflag:s3] =	ssyncset.done $0x0  }
0xb1: {  	[sflag:s3] =	ssyncadd.s32 $0xFFFFB000  }
0xb2: {  	_ =	swait.ge [sflag:s23], $0xA0  }
0xb3: {  	[sflag:s23] =	ssyncset.done $0x0  }
0xb4: {  	[sflag:s23] =	ssyncadd.s32 $0xFFFFFF60  }
0xb5: {  	_ =	swait.ge [sflag:s5], $0xA0  }
0xb6: {  	[sflag:s5] =	ssyncset.done $0x0  }
0xb7: {  	[sflag:s5] =	ssyncadd.s32 $0xFFFFFF60  }
0xb8: {  	_ =	swait.ge [sflag:s5], $0xA0  }
0xb9: {  	[sflag:s5] =	ssyncset.done $0x0  }
0xba: {  	[sflag:s5] =	ssyncadd.s32 $0xFFFFFF60  }
0xbb: {  	[tilespmem:s19], [sflag:$0x5] =	stream.indirect.gather [hbm4b:s7+s17], $0x80, s14, s17, $0xb8;
	[tilespmem:$0x1EC80] =	vst v63  }
0xbc: {  	s12 =	sshrl.u32 s31, $0x3;
	s15 =	simm.s32 $0x600;
	s13 =	rddreg [dreg:$0x4]  }
0xbd: {  	[tilespmem:s16], [sflag:$0x7] =	stream.indirect.gather [hbm4b:s8+s17], $0x1, s15, s17, $0xb8;
	[tilespmem:$0x1EC80] =	vst v63  }
0xbe: {  	s1 =	rddreg [dreg:$0x5];
	s13 =	sadd.s32 s13, s12  }
0xbf: {  	[tilespmem:s4], [sflag:$0x1] =	stream.linear.gather [hbm4b:s13+s4], $0xA0, $0x38;
	[tilespmem:$0x1EC80] =	vst v63  }
0xc0: {  	s10 =	simm.s32 $0x400;
	s12 =	sadd.s32 s1, s12  }
0xc1: {  	[tilespmem:s10], [sflag:$0x1] =	stream.linear.gather [hbm4b:s12+s4], $0xA0, $0x38;
	[tilespmem:$0x1EC80] =	vst v63  }
0xc2: {  	_ =	swait.ge [sflag:s6], $0x5000  }
0xc3: {  	[sflag:s6] =	ssyncset.done $0x0  }
0xc4: {  	[sflag:s6] =	ssyncadd.s32 $0xFFFFB000  }
0xc5: {  	_ =	swait.ge [sflag:s26], $0xA0  }
0xc6: {  	[sflag:s26] =	ssyncset.done $0x0  }
0xc7: {  	s22 =	simm.s32 $0x5800;
	s1 =	simm.s32 $0x500;
	[sflag:s26] =	ssyncadd.s32 $0xFFFFFF60  }
0xc8: {  	[spmem:s2] =	stream.indirect.scatter.add.f32 [tilespmem:s22], [sflag:$0xA], $0x80, s1, s17, $0xb8;
	[tilespmem:$0x1EC80] =	vst v63  }
0xc9: {  	s18 =	simm.s32 $0xA900;
	s10 =	simm.s32 $0x100  }
0xca: {  	[spmem:s21] =	stream.indirect.scatter.add.f32 [tilespmem:s18], [sflag:$0xC], $0x1, s10, s17, $0xb8;
	[tilespmem:$0x1EC80] =	vst v63  }
0xcb: {  	_ =	swait.ge [sflag:s28], $0x5000  }
0xcc: {  	[sflag:s28] =	ssyncset.done $0x0  }
0xcd: {  	[sflag:s28] =	ssyncadd.s32 $0xFFFFB000  }
0xce: {  	_ =	swait.ge [sflag:s29], $0xA0  }
0xcf: {  	[sflag:s29] =	ssyncset.done $0x0  }
0xd0: {  	[sflag:s29] =	ssyncadd.s32 $0xFFFFFF60  }
0xd1: {  	_ =	swait.ge [sflag:s30], $0xA0  }
0xd2: {  	[sflag:s30] =	ssyncset.done $0x0  }
0xd3: {  	[sflag:s30] =	ssyncadd.s32 $0xFFFFFF60  }
0xd4: {  	_ =	swait.ge [sflag:s30], $0xA0  }
0xd5: {  	[sflag:s30] =	ssyncset.done $0x0  }
0xd6: {  	[sflag:s30] =	ssyncadd.s32 $0xFFFFFF60  }
0xd7: {  	[tilespmem:s22], [sflag:$0x6] =	stream.indirect.gather [hbm4b:s7+s17], $0x80, s9, s17, $0xb8;
	[tilespmem:$0x1EC80] =	vst v63  }
0xd8: {  	s13 =	rddreg [dreg:$0x1c]  }
0xd9: {  	[tilespmem:s18], [sflag:$0x8] =	stream.indirect.gather [hbm4b:s8+s17], $0x1, s11, s17, $0xb8;
	[tilespmem:$0x1EC80] =	vst v63  }
0xda: {  	s12 =	sadd.s32 s0, s13;
	s13 =	rddreg [dreg:$0x1b]  }
0xdb: {  	[tilespmem:s10], [sflag:$0x2] =	stream.linear.gather [hbm4b:s12+s4], $0xA0, $0x38;
	[tilespmem:$0x1EC80] =	vst v63  }
0xdc: {  	s12 =	sadd.s32 s0, s13  }
0xdd: {  	[tilespmem:s1], [sflag:$0x2] =	stream.linear.gather [hbm4b:s12+s4], $0xA0, $0x38;
	[tilespmem:$0x1EC80] =	vst v63  }
0xde: {  	_ =	swait.ge [sflag:s24], $0x5000  }
0xdf: {  	[sflag:s24] =	ssyncset.done $0x0  }
0xe0: {  	[sflag:s24] =	ssyncadd.s32 $0xFFFFB000  }
0xe1: {  	_ =	swait.ge [sflag:s25], $0xA0  }
0xe2: {  	[sflag:s25] =	ssyncset.done $0x0  }
0xe3: {  	[sflag:s25] =	ssyncadd.s32 $0xFFFFFF60  }
0xe4: {  	[spmem:s2] =	stream.indirect.scatter.add.f32 [tilespmem:s19], [sflag:$0x9], $0x80, s15, s17, $0xb8;
	[tilespmem:$0x1EC80] =	vst v63  }
0xe5: {  	_ = 	snop  }
0xe6: {  	[spmem:s21] =	stream.indirect.scatter.add.f32 [tilespmem:s16], [sflag:$0xB], $0x1, s14, s17, $0xb8;
	[tilespmem:$0x1EC80] =	vst v63  }
0xe7: {  	_ =	swait.ge [sflag:s3], $0x5000  }
0xe8: {  	[sflag:s3] =	ssyncset.done $0x0  }
0xe9: {  	[sflag:s3] =	ssyncadd.s32 $0xFFFFB000  }
0xea: {  	_ =	swait.ge [sflag:s23], $0xA0  }
0xeb: {  	[sflag:s23] =	ssyncset.done $0x0  }
0xec: {  	s14 =	simm.s32 $0x1;
	[sflag:s23] =	ssyncadd.s32 $0xFFFFFF60  }
0xed: {  	_ =	swait.ge [sflag:s14], $0xA0  }
0xee: {  	[sflag:s14] =	ssyncset.done $0x0  }
0xef: {  	[sflag:s14] =	ssyncadd.s32 $0xFFFFFF60  }
0xf0: {  	_ =	swait.ge [sflag:s14], $0xA0  }
0xf1: {  	[sflag:s14] =	ssyncset.done $0x0  }
0xf2: {  	[sflag:s14] =	ssyncadd.s32 $0xFFFFFF60  }
0xf3: {  	[tilespmem:s19], [sflag:$0x5] =	stream.indirect.gather [hbm4b:s7+s17], $0x80, s4, s17, $0xb8;
	[tilespmem:$0x1EC80] =	vst v63  }
0xf4: {  	p0 =	seq.s32 s0, $0x460;
	s15 =	simm.s32 $0x400;
	s12 =	rddreg [dreg:$0x1a]  }
0xf5: {  	[tilespmem:s16], [sflag:$0x7] =	stream.indirect.gather [hbm4b:s8+s17], $0x1, s15, s17, $0xb8;
	[tilespmem:$0x1EC80] =	vst v63  }
0xf6: {  	s13 =	simm.s32 @!p0 $0x0;
	s12 =	sadd.s32 @!p0 s0, s12;
	s14 =	simm.s32 @!p0 $0x200  }
0xf7: {  	[tilespmem:s14], [sflag:$0x3] =	stream.linear.gather @!p0 [hbm4b:s12+s13], $0xA0, $0x38;
	[tilespmem:$0x1EC80] =	vst v63  }
0xf8: {  	s12 =	rddreg [dreg:$0x19]  }
0xf9: {  	s14 =	simm.s32 @!p0 $0x600;
	s12 =	sadd.s32 @!p0 s0, s12  }
0xfa: {  	[tilespmem:s14], [sflag:$0x3] =	stream.linear.gather @!p0 [hbm4b:s12+s13], $0xA0, $0x38;
	[tilespmem:$0x1EC80] =	vst v63  }
0xfb: {  	_ =	swait.ge [sflag:s6], $0x5000  }
0xfc: {  	[sflag:s6] =	ssyncset.done $0x0  }
0xfd: {  	[sflag:s6] =	ssyncadd.s32 $0xFFFFB000  }
0xfe: {  	_ =	swait.ge [sflag:s26], $0xA0  }
0xff: {  	[sflag:s26] =	ssyncset.done $0x0  }
0x100: {  	[sflag:s26] =	ssyncadd.s32 $0xFFFFFF60  }
0x101: {  	[spmem:s2] =	stream.indirect.scatter.add.f32 [tilespmem:s22], [sflag:$0xA], $0x80, s11, s17, $0xb8;
	[tilespmem:$0x1EC80] =	vst v63  }
0x102: {  	_ = 	snop  }
0x103: {  	[spmem:s21] =	stream.indirect.scatter.add.f32 [tilespmem:s18], [sflag:$0xC], $0x1, s9, s17, $0xb8;
	[tilespmem:$0x1EC80] =	vst v63  }
0x104: {  	_ =	swait.ge [sflag:s28], $0x5000  }
0x105: {  	[sflag:s28] =	ssyncset.done $0x0  }
0x106: {  	[sflag:s28] =	ssyncadd.s32 $0xFFFFB000  }
0x107: {  	_ =	swait.ge [sflag:s29], $0xA0  }
0x108: {  	[sflag:s29] =	ssyncset.done $0x0  }
0x109: {  	[sflag:s29] =	ssyncadd.s32 $0xFFFFFF60  }
0x10a: {  	_ =	swait.ge [sflag:s20], $0xA0  }
0x10b: {  	[sflag:s20] =	ssyncset.done $0x0  }
0x10c: {  	[sflag:s20] =	ssyncadd.s32 $0xFFFFFF60  }
0x10d: {  	_ =	swait.ge [sflag:s20], $0xA0  }
.Ltmp2:
0x10e: {  	[sflag:s20] =	ssyncset.done $0x0;
	(pc) =	sbr.rel @p0 .LBB2_4-.Ltmp2, $4  }
0x10f: {  	[sflag:s20] =	ssyncadd.s32 $0xFFFFFF60  }
0x110: {  	[tilespmem:s22], [sflag:$0x6] =	stream.indirect.gather [hbm4b:s7+s17], $0x80, s10, s17, $0xb8;
	[tilespmem:$0x1EC80] =	vst v63  }
0x111: {  	s13 =	simm.s32 $0x300;
	s9 =	simm.s32 $0x700  }
0x112: {  	[tilespmem:s18], [sflag:$0x8] =	stream.indirect.gather [hbm4b:s8+s17], $0x1, s1, s17, $0xb8;
	[tilespmem:$0x1EC80] =	vst v63  }
0x113: {  	s12 =	rddreg [dreg:$0x18]  }
.Ltmp3:
0x114: {  	s22 =	rddreg [dreg:$0x17];
	s12 =	sadd.s32 s0, s12;
	(pc) =	sbr.rel .LBB2_2-.Ltmp3, $4  }
0x115: {  	[tilespmem:s13], [sflag:$0x4] =	stream.linear.gather [hbm4b:s12+s4], $0xA0, $0x38;
	[tilespmem:$0x1EC80] =	vst v63  }
0x116: {  	s31 =	sadd.s32 $0x280, s31;
	s11 =	simm.s32 $0x700;
	s12 =	sadd.s32 s0, s22  }
0x117: {  	[tilespmem:s9], [sflag:$0x4] =	stream.linear.gather [hbm4b:s12+s4], $0xA0, $0x38;
	[tilespmem:$0x1EC80] =	vst v63  }
0x118: {  	s14 =	simm.s32 $0x200;
	s0 =	sadd.s32 $0x50, s0;
	s9 =	simm.s32 $0x300  }
.LBB2_5:
0x119: {  	_ =	sfence.sel $0x180000  }
0x11a: {  	[bflag:$0x0] =	sbarrier.arrive $0xFFFF  }
0x11b: {  	_ =	strace $0x9000004A  }
0x11c: {  	s0 =	stileid.u32;
	[bflag:$0x2] =	sbarrier.arrive $0xFFFF  }
0x11d: {  	p0 =	sne.s32 s0, $0x0;
	s0 =	rddreg [dreg:$0x3]  }
0x11e: {  	s0 =	sadd.s32 @!p0 $0x100000, s0  }
0x11f: {  	[sflag:s0] =	ssyncadd.tile.s32 @!p0 $0x1;
	_ =	shalt  }
.Lfunc_end2:
_tile_overlayer_lowered:
.L_overlay_start_2:
0x120: {  	(tag) =	ssettag $0x2  }
0x121: {  	s0 =	rddreg [dreg:$0x0];
	s2 =	stileid.u32  }
0x122: {  	s1 =	rddreg [dreg:$0x1];
	p0 =	sne.s32 s2, $0x0  }
0x123: {  	s3 =	rddreg [dreg:$0x2];
	[bflag:$0x3] =	sbarrier.arrive $0xFFFF;
	s2 =	simm.s32 @!p0 $0x1C0D  }
0x124: {  	[timem:s3], [sflag:s2] =	dma.local @!p0 [hbm:s0], s1  }
0x125: {  	s0 =	simm.s32 @!p0 $0xD  }
0x126: {  	_ =	swait.ge @!p0 [sflag:s0], s1  }
0x127: {  	s1 =	ssub.s32 @!p0 $0x0, s1;
	[sflag:s0] =	ssyncset.done @!p0 $0x0  }
0x128: {  	[sflag:s0] =	ssyncadd.s32 @!p0 s1  }
0x129: {  	[bflag:$0x3] =	sbarrier.arrive $0xFFFF  }
0x12a: {  	_ =	shalt  }

</sc_bundles>
